<compile_context>
chip_gen: v7x
topology: tpu7x:2x2x1
jax: 0.10.2.dev20260603
libtpu: 0.0.44.dev20260713+nightly
codegen_flags: <defaults>
</compile_context>

<pallas_src>
import functools

import jax
import jax.numpy as jnp
from jax import lax
from jax.experimental import pallas as pl
from jax.experimental.pallas import tpu as pltpu
from jax.experimental.pallas import tpu_sc as plsc

V = 10000
F = 128
NE = 320000
EPS = 1e-08

NC = 2
NS = 16
NW = NC * NS
VPAD = 10240
RPT = VPAD // NS
EPW = NE // NW
CHS = 128
NFULL = EPW // CHS
REM = EPW - NFULL * CHS
DEGW = 128


@functools.cache
def _deg_kernel():
    mesh = plsc.VectorSubcoreMesh(core_axis_name="c", subcore_axis_name="s",
                                  num_cores=NC, num_subcores=NS)

    @functools.partial(
        pl.kernel,
        out_type=jax.ShapeDtypeStruct((NC * VPAD, DEGW), jnp.float32),
        mesh=mesh,
        scratch_types=[
            pltpu.VMEM((CHS,), jnp.int32),
            pltpu.VMEM((CHS,), jnp.int32),
            pltpu.VMEM((REM,), jnp.int32),
            pltpu.VMEM((CHS, DEGW), jnp.float32),
            pltpu.VMEM_SHARED((VPAD, DEGW), jnp.float32),
            pltpu.SemaphoreType.DMA,
        ],
    )
    def deg_k(dst_hbm, ones_hbm, zeros_hbm, out_hbm, i0, i1, ir,
              ones_v, deg_sh, sem):
        c = lax.axis_index("c")
        s = lax.axis_index("s")
        ebase = (c * NS + s) * EPW

        pltpu.sync_copy(ones_hbm, ones_v)
        for k in range(RPT // CHS):
            pltpu.sync_copy(zeros_hbm,
                            deg_sh.at[pl.ds(s * RPT + k * CHS, CHS)])
        plsc.subcore_barrier()

        bufs = (i0, i1)

        def body(g, carry):
            for k in range(2):
                base = pl.multiple_of(ebase + (g * 2 + k) * CHS, 8)
                pltpu.sync_copy(dst_hbm.at[pl.ds(base, CHS)], bufs[k])
                pltpu.async_copy(ones_v, deg_sh.at[bufs[k]], sem, add=True)
            for k in range(2):
                pltpu.make_async_copy(ones_v, deg_sh.at[i0], sem).wait()
            return carry

        lax.fori_loop(0, NFULL // 2, body, 0)
        base = pl.multiple_of(ebase + NFULL * CHS, 8)
        pltpu.sync_copy(dst_hbm.at[pl.ds(base, REM)], ir)
        pltpu.sync_copy(ones_v.at[pl.ds(0, REM)], deg_sh.at[ir], add=True)

        plsc.subcore_barrier()
        pltpu.sync_copy(deg_sh.at[pl.ds(s * RPT, RPT)],
                        out_hbm.at[pl.ds(c * VPAD + s * RPT, RPT)])

    return deg_k


@functools.cache
def _segsum_kernel():
    mesh = plsc.VectorSubcoreMesh(core_axis_name="c", subcore_axis_name="s",
                                  num_cores=NC, num_subcores=NS)

    @functools.partial(
        pl.kernel,
        out_type=jax.ShapeDtypeStruct((NC * VPAD, F), jnp.float32),
        mesh=mesh,
        scratch_types=[
            pltpu.VMEM((EPW,), jnp.int32),
            pltpu.VMEM((CHS,), jnp.int32),
            pltpu.VMEM((CHS,), jnp.int32),
            pltpu.VMEM((REM,), jnp.int32),
            pltpu.VMEM((CHS, F), jnp.float32),
            pltpu.VMEM((CHS, F), jnp.float32),
            pltpu.VMEM_SHARED((VPAD, F), jnp.float32),
            pltpu.SemaphoreType.DMA,
            pltpu.SemaphoreType.DMA,
        ],
    )
    def segsum_k(xp_hbm, src_hbm, dst_hbm, zeros_hbm, out_hbm,
                 sidx_all, d0, d1, dr, r0, r1, acc_sh, m0, m1):
        c = lax.axis_index("c")
        s = lax.axis_index("s")
        ebase = (c * NS + s) * EPW

        pltpu.sync_copy(src_hbm.at[pl.ds(ebase, EPW)], sidx_all)
        for k in range(RPT // CHS):
            pltpu.sync_copy(zeros_hbm,
                            acc_sh.at[pl.ds(s * RPT + k * CHS, CHS)])
        plsc.subcore_barrier()

        db = (d0, d1)
        rb = (r0, r1)
        sems = (m0, m1)

        def fire(j, k):
            off = pl.multiple_of(j * CHS, 8)
            pltpu.async_copy(xp_hbm.at[sidx_all.at[pl.ds(off, CHS)]],
                             rb[k], sems[k])

        def drain(j, k):
            base = pl.multiple_of(ebase + j * CHS, 8)
            pltpu.sync_copy(dst_hbm.at[pl.ds(base, CHS)], db[k])
            pltpu.make_async_copy(xp_hbm.at[sidx_all.at[pl.ds(0, CHS)]],
                                  rb[k], sems[k]).wait()
            pltpu.sync_copy(rb[k], acc_sh.at[db[k]], add=True)

        fire(0, 0)
        fire(1, 1)

        def body(g, carry):
            for k in range(2):
                drain(g * 2 + k, k)
                fire(g * 2 + k + 2, k)
            return carry

        lax.fori_loop(0, NFULL // 2 - 1, body, 0)
        drain(NFULL - 2, 0)
        drain(NFULL - 1, 1)

        base = pl.multiple_of(ebase + NFULL * CHS, 8)
        pltpu.sync_copy(dst_hbm.at[pl.ds(base, REM)], dr)
        off = pl.multiple_of(NFULL * CHS, 8)
        pltpu.async_copy(xp_hbm.at[sidx_all.at[pl.ds(off, REM)]],
                         r0.at[pl.ds(0, REM)], m0).wait()
        pltpu.sync_copy(r0.at[pl.ds(0, REM)], acc_sh.at[dr], add=True)

        plsc.subcore_barrier()
        pltpu.sync_copy(acc_sh.at[pl.ds(s * RPT, RPT)],
                        out_hbm.at[pl.ds(c * VPAD + s * RPT, RPT)])

    return segsum_k


def _scale_body(dg0_ref, dg1_ref, x_ref, xp_ref):
    deg = dg0_ref[:, :1] + dg1_ref[:, :1] + 1.0
    dinv = lax.rsqrt(deg)
    xp_ref[...] = x_ref[...] * dinv


def _scale(dg0, dg1, x):
    blk = 1000
    grid = (V // blk,)
    return pl.pallas_call(
        _scale_body,
        grid=grid,
        in_specs=[
            pl.BlockSpec((blk, DEGW), lambda i: (i, 0)),
            pl.BlockSpec((blk, DEGW), lambda i: (i, 0)),
            pl.BlockSpec((blk, F), lambda i: (i, 0)),
        ],
        out_specs=pl.BlockSpec((blk, F), lambda i: (i, 0)),
        out_shape=jax.ShapeDtypeStruct((V, F), jnp.float32),
    )(dg0, dg1, x)


def _heads_body(a0_ref, a1_ref, xp_ref, dg0_ref, dg1_ref, wg_ref, bg_ref,
                wl_ref, bl_ref, ws_ref, bs_ref, eps_ref,
                z_ref, mu_ref, lv_ref):
    deg = dg0_ref[:, :1] + dg1_ref[:, :1] + 1.0
    dinv = lax.rsqrt(deg)
    y = dinv * (a0_ref[...] + a1_ref[...] + xp_ref[...])
    g = (
        lax.dot_general(y, wg_ref[...], (((1,), (0,)), ((), ())),
                        precision=lax.Precision.HIGHEST,
                        preferred_element_type=jnp.float32)
        + bg_ref[...]
    )
    mu = (
        lax.dot_general(g, wl_ref[...], (((1,), (1,)), ((), ())),
                        precision=lax.Precision.HIGHEST,
                        preferred_element_type=jnp.float32)
        + bl_ref[...]
    )
    t = (
        lax.dot_general(g, ws_ref[...], (((1,), (1,)), ((), ())),
                        precision=lax.Precision.HIGHEST,
                        preferred_element_type=jnp.float32)
        + bs_ref[...]
    )
    sp = jnp.maximum(t, 0.0) + jnp.log1p(jnp.exp(-jnp.abs(t))) + EPS
    mu_ref[...] = mu
    z_ref[...] = mu + sp * eps_ref[...]
    lv_ref[...] = 2.0 * jnp.log(sp)


def _heads(a0, a1, xp, dg0, dg1, W_gcn, b_gcn, W_loc, b_loc, W_std, b_std,
           eps):
    blk = 1000
    grid = (V // blk,)
    row = lambda i: (i, 0)
    full = lambda i: (0, 0)
    out_sds = jax.ShapeDtypeStruct((V, F), jnp.float32)
    return pl.pallas_call(
        _heads_body,
        grid=grid,
        in_specs=[
            pl.BlockSpec((blk, F), row),
            pl.BlockSpec((blk, F), row),
            pl.BlockSpec((blk, F), row),
            pl.BlockSpec((blk, DEGW), row),
            pl.BlockSpec((blk, DEGW), row),
            pl.BlockSpec((F, F), full),
            pl.BlockSpec((1, F), full),
            pl.BlockSpec((F, F), full),
            pl.BlockSpec((1, F), full),
            pl.BlockSpec((F, F), full),
            pl.BlockSpec((1, F), full),
            pl.BlockSpec((blk, F), row),
        ],
        out_specs=[
            pl.BlockSpec((blk, F), row),
            pl.BlockSpec((blk, F), row),
            pl.BlockSpec((blk, F), row),
        ],
        out_shape=[out_sds, out_sds, out_sds],
    )(a0, a1, xp, dg0, dg1, W_gcn, b_gcn, W_loc, b_loc, W_std, b_std, eps)


def kernel(edge_index, vrepr, W_gcn, b_gcn, W_loc, b_loc, W_std, b_std, eps):
    src = edge_index[0]
    dst = edge_index[1]

    zerosF = jnp.zeros((CHS, F), jnp.float32)
    onesD = jnp.ones((CHS, DEGW), jnp.float32)

    degp = _deg_kernel()(dst, onesD, zerosF)
    dg0 = degp[:V]
    dg1 = degp[VPAD:VPAD + V]

    xp = _scale(dg0, dg1, vrepr)

    accp = _segsum_kernel()(xp, src, dst, zerosF)
    a0 = accp[:V]
    a1 = accp[VPAD:VPAD + V]

    z, mu, lv = _heads(a0, a1, xp, dg0, dg1, W_gcn,
                       b_gcn.reshape(1, F), W_loc, b_loc.reshape(1, F),
                       W_std, b_std.reshape(1, F), eps)
    return (z, mu, lv)

# --- scband reference (transcript-rebuilt; emitter-appended) ---
"""Pipeline reference for scband-graph-encoder-glue-635655160174 (READ-ONLY COPY).

The authoritative reference and input builder live on the scoring server;
editing this copy changes nothing except your own understanding.
"""

import jax, jax.numpy as jnp
import numpy as np

VNUM = 10000
FEAT = 128
NE = 320000
EPS = 1e-08


def setup_inputs(seed: int = 0) -> dict:
    key = jax.random.key(seed)
    ks = jax.random.split(key, 9)
    s = 1.0 / np.sqrt(FEAT)
    return {
        "edge_index": jax.random.randint(ks[0], (2, NE), 0, VNUM, dtype=jnp.int32),
        "vrepr": jax.random.normal(ks[1], (VNUM, FEAT), dtype=jnp.float32) * 0.02,
        "W_gcn": jax.random.normal(ks[2], (FEAT, FEAT), dtype=jnp.float32) * s,
        "b_gcn": jnp.zeros((FEAT,), dtype=jnp.float32),
        "W_loc": jax.random.normal(ks[3], (FEAT, FEAT), dtype=jnp.float32) * s,
        "b_loc": jax.random.normal(ks[4], (FEAT,), dtype=jnp.float32) * s,
        "W_std": jax.random.normal(ks[5], (FEAT, FEAT), dtype=jnp.float32) * s,
        "b_std": jax.random.normal(ks[6], (FEAT,), dtype=jnp.float32) * s,
        "eps": jax.random.normal(ks[7], (VNUM, FEAT), dtype=jnp.float32),
    }


def _gcn_conv(x, edge_index, W, b):
    # PyG GCNConv: add self-loops, symmetric D^-1/2 (A+I) D^-1/2 normalization
    N = x.shape[0]
    loop = jnp.arange(N, dtype=edge_index.dtype)
    src = jnp.concatenate([edge_index[0], loop])
    dst = jnp.concatenate([edge_index[1], loop])
    deg = jnp.zeros((N,), dtype=x.dtype).at[dst].add(1.0)
    dinv = jax.lax.rsqrt(deg)
    norm = dinv[src] * dinv[dst]
    h = x @ W
    msg = h[src] * norm[:, None]
    out = jax.ops.segment_sum(msg, dst, num_segments=N)
    return out + b


def reference(edge_index, vrepr, W_gcn, b_gcn, W_loc, b_loc, W_std, b_std, eps):
    h = _gcn_conv(vrepr, edge_index, W_gcn, b_gcn)
    mu = h @ W_loc.T + b_loc
    std = jax.nn.softplus(h @ W_std.T + b_std) + EPS
    logvar = jnp.log(std ** 2)
    # dist.rsample() == mu + std * eps with eps ~ N(0,1) (reparameterization trick)
    z = mu + std * eps
    return (z, mu, logvar)

if __name__ == "__main__":
    import jax
    _d = setup_inputs()
    print(jax.jit(kernel)(*tuple(_d.values())))

</pallas_src>

<mosaic_0001>
#map = affine_map<(d0, d1) -> (0)>
#map1 = affine_map<(d0, d1) -> (0, 0)>
module attributes {stable_mosaic.version = 14 : i64} {
  func.func @deg_k(%arg0: i32, %arg1: i32, %arg2: memref<320000xi32, #tpu.memory_space<hbm>>, %arg3: memref<128x128xf32, #tpu.memory_space<hbm>>, %arg4: memref<128x128xf32, #tpu.memory_space<hbm>>, %arg5: memref<20480x128xf32, #tpu.memory_space<hbm>>, %arg6: memref<128xi32, #tpu.memory_space<vmem>>, %arg7: memref<128xi32, #tpu.memory_space<vmem>>, %arg8: memref<16xi32, #tpu.memory_space<vmem>>, %arg9: memref<128x128xf32, #tpu.memory_space<vmem>>, %arg10: memref<10240x128xf32, #tpu.memory_space<vmem_shared>>, %arg11: memref<!tpu.dma_semaphore, #tpu.memory_space<semaphore_mem>>) attributes {dimension_semantics = [#tpu.dimension_semantics<core_parallel>, #tpu.dimension_semantics<subcore_parallel>], iteration_bounds = array<i64: 2, 16>, scalar_prefetch = 0 : i64, scratch_operands = 6 : i64, tpu.core_type = #tpu.core_type<sc_vector_subcore>, window_params = [{transform_indices = #map}, {transform_indices = #map1}, {transform_indices = #map1}, {transform_indices = #map1}]} {
    %mul3A = arith.constant 16 : i32
    %mul3A_0 = arith.muli %arg0, %mul3A : i32
    %add3A = arith.addi %mul3A_0, %arg1 : i32
    %mul3A_1 = arith.constant 10000 : i32
    %mul3A_2 = arith.muli %add3A, %mul3A_1 : i32
    "tpu.region"() ({
      %run_scoped3A = tpu.sem_alloc : memref<!tpu.dma_semaphore, #tpu.memory_space<semaphore_mem>>
      tpu.enqueue_dma source(%arg3 : memref<128x128xf32, #tpu.memory_space<hbm>>) target(%arg9 : memref<128x128xf32, #tpu.memory_space<vmem>>) target_semaphore(%run_scoped3A : memref<!tpu.dma_semaphore, #tpu.memory_space<semaphore_mem>>)
      tpu.wait_dma2 semaphore(%run_scoped3A : memref<!tpu.dma_semaphore, #tpu.memory_space<semaphore_mem>>) src(%arg3 : memref<128x128xf32, #tpu.memory_space<hbm>>) dst(%arg9 : memref<128x128xf32, #tpu.memory_space<vmem>>)
      tpu.yield
    }) : () -> ()
    %mul3A_3 = arith.constant 640 : i32
    %mul3A_4 = arith.muli %arg1, %mul3A_3 : i32
    %add3A_5 = arith.constant 0 : i32
    %add3A_6 = arith.addi %mul3A_4, %add3A_5 : i32
    "tpu.region"() ({
      %run_scoped3A = tpu.sem_alloc : memref<!tpu.dma_semaphore, #tpu.memory_space<semaphore_mem>>
      %dma_start3A = arith.constant 0 : i32
      %dma_start3A_38 = tpu.memref_slice %arg10[%add3A_6, %dma_start3A] : memref<10240x128xf32, #tpu.memory_space<vmem_shared>> -> memref<128x128xf32, #tpu.memory_space<vmem_shared>>
      tpu.enqueue_dma source(%arg4 : memref<128x128xf32, #tpu.memory_space<hbm>>) target(%dma_start3A_38 : memref<128x128xf32, #tpu.memory_space<vmem_shared>>) target_semaphore(%run_scoped3A : memref<!tpu.dma_semaphore, #tpu.memory_space<semaphore_mem>>)
      %dma_wait3A = arith.constant 0 : i32
      %dma_wait3A_39 = tpu.memref_slice %arg10[%add3A_6, %dma_wait3A] : memref<10240x128xf32, #tpu.memory_space<vmem_shared>> -> memref<128x128xf32, #tpu.memory_space<vmem_shared>>
      tpu.wait_dma2 semaphore(%run_scoped3A : memref<!tpu.dma_semaphore, #tpu.memory_space<semaphore_mem>>) src(%arg4 : memref<128x128xf32, #tpu.memory_space<hbm>>) dst(%dma_wait3A_39 : memref<128x128xf32, #tpu.memory_space<vmem_shared>>)
      tpu.yield
    }) : () -> ()
    %mul3A_7 = arith.constant 640 : i32
    %mul3A_8 = arith.muli %arg1, %mul3A_7 : i32
    %add3A_9 = arith.constant 128 : i32
    %add3A_10 = arith.addi %mul3A_8, %add3A_9 : i32
    "tpu.region"() ({
      %run_scoped3A = tpu.sem_alloc : memref<!tpu.dma_semaphore, #tpu.memory_space<semaphore_mem>>
      %dma_start3A = arith.constant 0 : i32
      %dma_start3A_38 = tpu.memref_slice %arg10[%add3A_10, %dma_start3A] : memref<10240x128xf32, #tpu.memory_space<vmem_shared>> -> memref<128x128xf32, #tpu.memory_space<vmem_shared>>
      tpu.enqueue_dma source(%arg4 : memref<128x128xf32, #tpu.memory_space<hbm>>) target(%dma_start3A_38 : memref<128x128xf32, #tpu.memory_space<vmem_shared>>) target_semaphore(%run_scoped3A : memref<!tpu.dma_semaphore, #tpu.memory_space<semaphore_mem>>)
      %dma_wait3A = arith.constant 0 : i32
      %dma_wait3A_39 = tpu.memref_slice %arg10[%add3A_10, %dma_wait3A] : memref<10240x128xf32, #tpu.memory_space<vmem_shared>> -> memref<128x128xf32, #tpu.memory_space<vmem_shared>>
      tpu.wait_dma2 semaphore(%run_scoped3A : memref<!tpu.dma_semaphore, #tpu.memory_space<semaphore_mem>>) src(%arg4 : memref<128x128xf32, #tpu.memory_space<hbm>>) dst(%dma_wait3A_39 : memref<128x128xf32, #tpu.memory_space<vmem_shared>>)
      tpu.yield
    }) : () -> ()
    %mul3A_11 = arith.constant 640 : i32
    %mul3A_12 = arith.muli %arg1, %mul3A_11 : i32
    %add3A_13 = arith.constant 256 : i32
    %add3A_14 = arith.addi %mul3A_12, %add3A_13 : i32
    "tpu.region"() ({
      %run_scoped3A = tpu.sem_alloc : memref<!tpu.dma_semaphore, #tpu.memory_space<semaphore_mem>>
      %dma_start3A = arith.constant 0 : i32
      %dma_start3A_38 = tpu.memref_slice %arg10[%add3A_14, %dma_start3A] : memref<10240x128xf32, #tpu.memory_space<vmem_shared>> -> memref<128x128xf32, #tpu.memory_space<vmem_shared>>
      tpu.enqueue_dma source(%arg4 : memref<128x128xf32, #tpu.memory_space<hbm>>) target(%dma_start3A_38 : memref<128x128xf32, #tpu.memory_space<vmem_shared>>) target_semaphore(%run_scoped3A : memref<!tpu.dma_semaphore, #tpu.memory_space<semaphore_mem>>)
      %dma_wait3A = arith.constant 0 : i32
      %dma_wait3A_39 = tpu.memref_slice %arg10[%add3A_14, %dma_wait3A] : memref<10240x128xf32, #tpu.memory_space<vmem_shared>> -> memref<128x128xf32, #tpu.memory_space<vmem_shared>>
      tpu.wait_dma2 semaphore(%run_scoped3A : memref<!tpu.dma_semaphore, #tpu.memory_space<semaphore_mem>>) src(%arg4 : memref<128x128xf32, #tpu.memory_space<hbm>>) dst(%dma_wait3A_39 : memref<128x128xf32, #tpu.memory_space<vmem_shared>>)
      tpu.yield
    }) : () -> ()
    %mul3A_15 = arith.constant 640 : i32
    %mul3A_16 = arith.muli %arg1, %mul3A_15 : i32
    %add3A_17 = arith.constant 384 : i32
    %add3A_18 = arith.addi %mul3A_16, %add3A_17 : i32
    "tpu.region"() ({
      %run_scoped3A = tpu.sem_alloc : memref<!tpu.dma_semaphore, #tpu.memory_space<semaphore_mem>>
      %dma_start3A = arith.constant 0 : i32
      %dma_start3A_38 = tpu.memref_slice %arg10[%add3A_18, %dma_start3A] : memref<10240x128xf32, #tpu.memory_space<vmem_shared>> -> memref<128x128xf32, #tpu.memory_space<vmem_shared>>
      tpu.enqueue_dma source(%arg4 : memref<128x128xf32, #tpu.memory_space<hbm>>) target(%dma_start3A_38 : memref<128x128xf32, #tpu.memory_space<vmem_shared>>) target_semaphore(%run_scoped3A : memref<!tpu.dma_semaphore, #tpu.memory_space<semaphore_mem>>)
      %dma_wait3A = arith.constant 0 : i32
      %dma_wait3A_39 = tpu.memref_slice %arg10[%add3A_18, %dma_wait3A] : memref<10240x128xf32, #tpu.memory_space<vmem_shared>> -> memref<128x128xf32, #tpu.memory_space<vmem_shared>>
      tpu.wait_dma2 semaphore(%run_scoped3A : memref<!tpu.dma_semaphore, #tpu.memory_space<semaphore_mem>>) src(%arg4 : memref<128x128xf32, #tpu.memory_space<hbm>>) dst(%dma_wait3A_39 : memref<128x128xf32, #tpu.memory_space<vmem_shared>>)
      tpu.yield
    }) : () -> ()
    %mul3A_19 = arith.constant 640 : i32
    %mul3A_20 = arith.muli %arg1, %mul3A_19 : i32
    %add3A_21 = arith.constant 512 : i32
    %add3A_22 = arith.addi %mul3A_20, %add3A_21 : i32
    "tpu.region"() ({
      %run_scoped3A = tpu.sem_alloc : memref<!tpu.dma_semaphore, #tpu.memory_space<semaphore_mem>>
      %dma_start3A = arith.constant 0 : i32
      %dma_start3A_38 = tpu.memref_slice %arg10[%add3A_22, %dma_start3A] : memref<10240x128xf32, #tpu.memory_space<vmem_shared>> -> memref<128x128xf32, #tpu.memory_space<vmem_shared>>
      tpu.enqueue_dma source(%arg4 : memref<128x128xf32, #tpu.memory_space<hbm>>) target(%dma_start3A_38 : memref<128x128xf32, #tpu.memory_space<vmem_shared>>) target_semaphore(%run_scoped3A : memref<!tpu.dma_semaphore, #tpu.memory_space<semaphore_mem>>)
      %dma_wait3A = arith.constant 0 : i32
      %dma_wait3A_39 = tpu.memref_slice %arg10[%add3A_22, %dma_wait3A] : memref<10240x128xf32, #tpu.memory_space<vmem_shared>> -> memref<128x128xf32, #tpu.memory_space<vmem_shared>>
      tpu.wait_dma2 semaphore(%run_scoped3A : memref<!tpu.dma_semaphore, #tpu.memory_space<semaphore_mem>>) src(%arg4 : memref<128x128xf32, #tpu.memory_space<hbm>>) dst(%dma_wait3A_39 : memref<128x128xf32, #tpu.memory_space<vmem_shared>>)
      tpu.yield
    }) : () -> ()
    %barrier3A = arith.constant 0 : index
    tpu.barrier barrier_id(%barrier3A)
    %scan3A = arith.constant 0 : i32
    %scan3A_23 = arith.constant 0 : i32
    %scan3A_24 = arith.constant 39 : i32
    %scan3A_25 = arith.addi %scan3A_23, %scan3A_24 : i32
    %scan3A_26 = arith.constant 1 : i32
    scf.for %scan3A_38 = %scan3A_23 to %scan3A_25 step %scan3A_26  : i32 {
      %mul3A_39 = arith.constant 2 : i32
      %mul3A_40 = arith.muli %scan3A_38, %mul3A_39 : i32
      %add3A_41 = arith.constant 0 : i32
      %add3A_42 = arith.addi %mul3A_40, %add3A_41 : i32
      %mul3A_43 = arith.constant 128 : i32
      %mul3A_44 = arith.muli %add3A_42, %mul3A_43 : i32
      %add3A_45 = arith.addi %mul3A_2, %mul3A_44 : i32
      %multiple_of3A_46 = tpu.assume_multiple %add3A_45, 8 : i32
      "tpu.region"() ({
        %run_scoped3A = tpu.sem_alloc : memref<!tpu.dma_semaphore, #tpu.memory_space<semaphore_mem>>
        %dma_start3A_65 = tpu.memref_slice %arg2[%multiple_of3A_46] : memref<320000xi32, #tpu.memory_space<hbm>> -> memref<128xi32, #tpu.memory_space<hbm>>
        %dma_start3A_66 = tpu.memref_slice %arg2[%multiple_of3A_46] : memref<320000xi32, #tpu.memory_space<hbm>> -> memref<128xi32, #tpu.memory_space<hbm>>
        tpu.enqueue_dma source(%dma_start3A_66 : memref<128xi32, #tpu.memory_space<hbm>>) target(%arg6 : memref<128xi32, #tpu.memory_space<vmem>>) target_semaphore(%run_scoped3A : memref<!tpu.dma_semaphore, #tpu.memory_space<semaphore_mem>>)
        %dma_wait3A_67 = tpu.memref_slice %arg2[%multiple_of3A_46] : memref<320000xi32, #tpu.memory_space<hbm>> -> memref<128xi32, #tpu.memory_space<hbm>>
        %dma_wait3A_68 = tpu.memref_slice %arg2[%multiple_of3A_46] : memref<320000xi32, #tpu.memory_space<hbm>> -> memref<128xi32, #tpu.memory_space<hbm>>
        tpu.wait_dma2 semaphore(%run_scoped3A : memref<!tpu.dma_semaphore, #tpu.memory_space<semaphore_mem>>) src(%dma_wait3A_68 : memref<128xi32, #tpu.memory_space<hbm>>) dst(%arg6 : memref<128xi32, #tpu.memory_space<vmem>>)
        tpu.yield
      }) : () -> ()
      %dma_start3A = arith.constant 0 : i32
      %dma_start3A_47 = arith.constant 0 : i32
      %dma_start3A_48 = tpu.memref_slice %arg10[%dma_start3A, %dma_start3A_47] : memref<10240x128xf32, #tpu.memory_space<vmem_shared>> -> memref<10240x128xf32, #tpu.memory_space<vmem_shared>>
      tpu.enqueue_indirect_dma source(%arg9 : memref<128x128xf32, #tpu.memory_space<vmem>>) target(%dma_start3A_48 : memref<10240x128xf32, #tpu.memory_space<vmem_shared>>) offsets(%arg6 : memref<128xi32, #tpu.memory_space<vmem>>) semaphore(%arg11 : memref<!tpu.dma_semaphore, #tpu.memory_space<semaphore_mem>>) {add = true}
      %mul3A_49 = arith.constant 2 : i32
      %mul3A_50 = arith.muli %scan3A_38, %mul3A_49 : i32
      %add3A_51 = arith.constant 1 : i32
      %add3A_52 = arith.addi %mul3A_50, %add3A_51 : i32
      %mul3A_53 = arith.constant 128 : i32
      %mul3A_54 = arith.muli %add3A_52, %mul3A_53 : i32
      %add3A_55 = arith.addi %mul3A_2, %mul3A_54 : i32
      %multiple_of3A_56 = tpu.assume_multiple %add3A_55, 8 : i32
      "tpu.region"() ({
        %run_scoped3A = tpu.sem_alloc : memref<!tpu.dma_semaphore, #tpu.memory_space<semaphore_mem>>
        %dma_start3A_65 = tpu.memref_slice %arg2[%multiple_of3A_56] : memref<320000xi32, #tpu.memory_space<hbm>> -> memref<128xi32, #tpu.memory_space<hbm>>
        %dma_start3A_66 = tpu.memref_slice %arg2[%multiple_of3A_56] : memref<320000xi32, #tpu.memory_space<hbm>> -> memref<128xi32, #tpu.memory_space<hbm>>
        tpu.enqueue_dma source(%dma_start3A_66 : memref<128xi32, #tpu.memory_space<hbm>>) target(%arg7 : memref<128xi32, #tpu.memory_space<vmem>>) target_semaphore(%run_scoped3A : memref<!tpu.dma_semaphore, #tpu.memory_space<semaphore_mem>>)
        %dma_wait3A_67 = tpu.memref_slice %arg2[%multiple_of3A_56] : memref<320000xi32, #tpu.memory_space<hbm>> -> memref<128xi32, #tpu.memory_space<hbm>>
        %dma_wait3A_68 = tpu.memref_slice %arg2[%multiple_of3A_56] : memref<320000xi32, #tpu.memory_space<hbm>> -> memref<128xi32, #tpu.memory_space<hbm>>
        tpu.wait_dma2 semaphore(%run_scoped3A : memref<!tpu.dma_semaphore, #tpu.memory_space<semaphore_mem>>) src(%dma_wait3A_68 : memref<128xi32, #tpu.memory_space<hbm>>) dst(%arg7 : memref<128xi32, #tpu.memory_space<vmem>>)
        tpu.yield
      }) : () -> ()
      %dma_start3A_57 = arith.constant 0 : i32
      %dma_start3A_58 = arith.constant 0 : i32
      %dma_start3A_59 = tpu.memref_slice %arg10[%dma_start3A_57, %dma_start3A_58] : memref<10240x128xf32, #tpu.memory_space<vmem_shared>> -> memref<10240x128xf32, #tpu.memory_space<vmem_shared>>
      tpu.enqueue_indirect_dma source(%arg9 : memref<128x128xf32, #tpu.memory_space<vmem>>) target(%dma_start3A_59 : memref<10240x128xf32, #tpu.memory_space<vmem_shared>>) offsets(%arg7 : memref<128xi32, #tpu.memory_space<vmem>>) semaphore(%arg11 : memref<!tpu.dma_semaphore, #tpu.memory_space<semaphore_mem>>) {add = true}
      %dma_wait3A = arith.constant 0 : i32
      %dma_wait3A_60 = arith.constant 0 : i32
      %dma_wait3A_61 = tpu.memref_slice %arg10[%dma_wait3A, %dma_wait3A_60] : memref<10240x128xf32, #tpu.memory_space<vmem_shared>> -> memref<10240x128xf32, #tpu.memory_space<vmem_shared>>
      tpu.wait_indirect_dma semaphore(%arg11 : memref<!tpu.dma_semaphore, #tpu.memory_space<semaphore_mem>>) src(%arg9 : memref<128x128xf32, #tpu.memory_space<vmem>>) dst(%dma_wait3A_61 : memref<10240x128xf32, #tpu.memory_space<vmem_shared>>)
      %dma_wait3A_62 = arith.constant 0 : i32
      %dma_wait3A_63 = arith.constant 0 : i32
      %dma_wait3A_64 = tpu.memref_slice %arg10[%dma_wait3A_62, %dma_wait3A_63] : memref<10240x128xf32, #tpu.memory_space<vmem_shared>> -> memref<10240x128xf32, #tpu.memory_space<vmem_shared>>
      tpu.wait_indirect_dma semaphore(%arg11 : memref<!tpu.dma_semaphore, #tpu.memory_space<semaphore_mem>>) src(%arg9 : memref<128x128xf32, #tpu.memory_space<vmem>>) dst(%dma_wait3A_64 : memref<10240x128xf32, #tpu.memory_space<vmem_shared>>)
    }
    %scan3A_27 = arith.constant 39 : i32
    %add3A_28 = arith.constant 9984 : i32
    %add3A_29 = arith.addi %mul3A_2, %add3A_28 : i32
    %multiple_of3A = tpu.assume_multiple %add3A_29, 8 : i32
    "tpu.region"() ({
      %run_scoped3A = tpu.sem_alloc : memref<!tpu.dma_semaphore, #tpu.memory_space<semaphore_mem>>
      %dma_start3A = tpu.memref_slice %arg2[%multiple_of3A] : memref<320000xi32, #tpu.memory_space<hbm>> -> memref<16xi32, #tpu.memory_space<hbm>>
      %dma_start3A_38 = tpu.memref_slice %arg2[%multiple_of3A] : memref<320000xi32, #tpu.memory_space<hbm>> -> memref<16xi32, #tpu.memory_space<hbm>>
      tpu.enqueue_dma source(%dma_start3A_38 : memref<16xi32, #tpu.memory_space<hbm>>) target(%arg8 : memref<16xi32, #tpu.memory_space<vmem>>) target_semaphore(%run_scoped3A : memref<!tpu.dma_semaphore, #tpu.memory_space<semaphore_mem>>)
      %dma_wait3A = tpu.memref_slice %arg2[%multiple_of3A] : memref<320000xi32, #tpu.memory_space<hbm>> -> memref<16xi32, #tpu.memory_space<hbm>>
      %dma_wait3A_39 = tpu.memref_slice %arg2[%multiple_of3A] : memref<320000xi32, #tpu.memory_space<hbm>> -> memref<16xi32, #tpu.memory_space<hbm>>
      tpu.wait_dma2 semaphore(%run_scoped3A : memref<!tpu.dma_semaphore, #tpu.memory_space<semaphore_mem>>) src(%dma_wait3A_39 : memref<16xi32, #tpu.memory_space<hbm>>) dst(%arg8 : memref<16xi32, #tpu.memory_space<vmem>>)
      tpu.yield
    }) : () -> ()
    "tpu.region"() ({
      %run_scoped3A = tpu.sem_alloc : memref<!tpu.dma_semaphore, #tpu.memory_space<semaphore_mem>>
      %dma_start3A = arith.constant 0 : i32
      %dma_start3A_38 = arith.constant 0 : i32
      %dma_start3A_39 = tpu.memref_slice %arg9[%dma_start3A, %dma_start3A_38] : memref<128x128xf32, #tpu.memory_space<vmem>> -> memref<16x128xf32, #tpu.memory_space<vmem>>
      %dma_start3A_40 = arith.constant 0 : i32
      %dma_start3A_41 = arith.constant 0 : i32
      %dma_start3A_42 = tpu.memref_slice %arg10[%dma_start3A_40, %dma_start3A_41] : memref<10240x128xf32, #tpu.memory_space<vmem_shared>> -> memref<10240x128xf32, #tpu.memory_space<vmem_shared>>
      tpu.enqueue_indirect_dma source(%dma_start3A_39 : memref<16x128xf32, #tpu.memory_space<vmem>>) target(%dma_start3A_42 : memref<10240x128xf32, #tpu.memory_space<vmem_shared>>) offsets(%arg8 : memref<16xi32, #tpu.memory_space<vmem>>) semaphore(%run_scoped3A : memref<!tpu.dma_semaphore, #tpu.memory_space<semaphore_mem>>) {add = true}
      %dma_wait3A = arith.constant 0 : i32
      %dma_wait3A_43 = arith.constant 0 : i32
      %dma_wait3A_44 = tpu.memref_slice %arg9[%dma_wait3A, %dma_wait3A_43] : memref<128x128xf32, #tpu.memory_space<vmem>> -> memref<16x128xf32, #tpu.memory_space<vmem>>
      %dma_wait3A_45 = arith.constant 0 : i32
      %dma_wait3A_46 = arith.constant 0 : i32
      %dma_wait3A_47 = tpu.memref_slice %arg10[%dma_wait3A_45, %dma_wait3A_46] : memref<10240x128xf32, #tpu.memory_space<vmem_shared>> -> memref<10240x128xf32, #tpu.memory_space<vmem_shared>>
      tpu.wait_indirect_dma semaphore(%run_scoped3A : memref<!tpu.dma_semaphore, #tpu.memory_space<semaphore_mem>>) src(%dma_wait3A_44 : memref<16x128xf32, #tpu.memory_space<vmem>>) dst(%dma_wait3A_47 : memref<10240x128xf32, #tpu.memory_space<vmem_shared>>)
      tpu.yield
    }) : () -> ()
    %barrier3A_30 = arith.constant 0 : index
    tpu.barrier barrier_id(%barrier3A_30)
    %mul3A_31 = arith.constant 640 : i32
    %mul3A_32 = arith.muli %arg1, %mul3A_31 : i32
    %mul3A_33 = arith.constant 10240 : i32
    %mul3A_34 = arith.muli %arg0, %mul3A_33 : i32
    %mul3A_35 = arith.constant 640 : i32
    %mul3A_36 = arith.muli %arg1, %mul3A_35 : i32
    %add3A_37 = arith.addi %mul3A_34, %mul3A_36 : i32
    "tpu.region"() ({
      %run_scoped3A = tpu.sem_alloc : memref<!tpu.dma_semaphore, #tpu.memory_space<semaphore_mem>>
      %dma_start3A = arith.constant 0 : i32
      %dma_start3A_38 = tpu.memref_slice %arg5[%add3A_37, %dma_start3A] : memref<20480x128xf32, #tpu.memory_space<hbm>> -> memref<640x128xf32, #tpu.memory_space<hbm>>
      %dma_start3A_39 = arith.constant 0 : i32
      %dma_start3A_40 = tpu.memref_slice %arg10[%mul3A_32, %dma_start3A_39] : memref<10240x128xf32, #tpu.memory_space<vmem_shared>> -> memref<640x128xf32, #tpu.memory_space<vmem_shared>>
      tpu.enqueue_dma source(%dma_start3A_40 : memref<640x128xf32, #tpu.memory_space<vmem_shared>>) target(%dma_start3A_38 : memref<640x128xf32, #tpu.memory_space<hbm>>) target_semaphore(%run_scoped3A : memref<!tpu.dma_semaphore, #tpu.memory_space<semaphore_mem>>)
      %dma_wait3A = arith.constant 0 : i32
      %dma_wait3A_41 = tpu.memref_slice %arg5[%add3A_37, %dma_wait3A] : memref<20480x128xf32, #tpu.memory_space<hbm>> -> memref<640x128xf32, #tpu.memory_space<hbm>>
      %dma_wait3A_42 = arith.constant 0 : i32
      %dma_wait3A_43 = tpu.memref_slice %arg10[%mul3A_32, %dma_wait3A_42] : memref<10240x128xf32, #tpu.memory_space<vmem_shared>> -> memref<640x128xf32, #tpu.memory_space<vmem_shared>>
      tpu.wait_dma2 semaphore(%run_scoped3A : memref<!tpu.dma_semaphore, #tpu.memory_space<semaphore_mem>>) src(%dma_wait3A_43 : memref<640x128xf32, #tpu.memory_space<vmem_shared>>) dst(%dma_wait3A_41 : memref<640x128xf32, #tpu.memory_space<hbm>>)
      tpu.yield
    }) : () -> ()
    return
  }
}

#map = affine_map<(d0, d1) -> (0, 0)>
#map1 = affine_map<(d0, d1) -> (0)>
module attributes {stable_mosaic.version = 14 : i64} {
  func.func @segsum_k(%arg0: i32, %arg1: i32, %arg2: memref<10000x128xf32, #tpu.memory_space<hbm>>, %arg3: memref<320000xi32, #tpu.memory_space<hbm>>, %arg4: memref<320000xi32, #tpu.memory_space<hbm>>, %arg5: memref<128x128xf32, #tpu.memory_space<hbm>>, %arg6: memref<20480x128xf32, #tpu.memory_space<hbm>>, %arg7: memref<10000xi32, #tpu.memory_space<vmem>>, %arg8: memref<128xi32, #tpu.memory_space<vmem>>, %arg9: memref<128xi32, #tpu.memory_space<vmem>>, %arg10: memref<16xi32, #tpu.memory_space<vmem>>, %arg11: memref<128x128xf32, #tpu.memory_space<vmem>>, %arg12: memref<128x128xf32, #tpu.memory_space<vmem>>, %arg13: memref<10240x128xf32, #tpu.memory_space<vmem_shared>>, %arg14: memref<!tpu.dma_semaphore, #tpu.memory_space<semaphore_mem>>, %arg15: memref<!tpu.dma_semaphore, #tpu.memory_space<semaphore_mem>>) attributes {dimension_semantics = [#tpu.dimension_semantics<core_parallel>, #tpu.dimension_semantics<subcore_parallel>], iteration_bounds = array<i64: 2, 16>, scalar_prefetch = 0 : i64, scratch_operands = 9 : i64, tpu.core_type = #tpu.core_type<sc_vector_subcore>, window_params = [{transform_indices = #map}, {transform_indices = #map1}, {transform_indices = #map1}, {transform_indices = #map}, {transform_indices = #map}]} {
    %mul3A = arith.constant 16 : i32
    %mul3A_0 = arith.muli %arg0, %mul3A : i32
    %add3A = arith.addi %mul3A_0, %arg1 : i32
    %mul3A_1 = arith.constant 10000 : i32
    %mul3A_2 = arith.muli %add3A, %mul3A_1 : i32
    "tpu.region"() ({
      %run_scoped3A = tpu.sem_alloc : memref<!tpu.dma_semaphore, #tpu.memory_space<semaphore_mem>>
      %dma_start3A_80 = tpu.memref_slice %arg3[%mul3A_2] : memref<320000xi32, #tpu.memory_space<hbm>> -> memref<10000xi32, #tpu.memory_space<hbm>>
      %dma_start3A_81 = tpu.memref_slice %arg3[%mul3A_2] : memref<320000xi32, #tpu.memory_space<hbm>> -> memref<10000xi32, #tpu.memory_space<hbm>>
      tpu.enqueue_dma source(%dma_start3A_81 : memref<10000xi32, #tpu.memory_space<hbm>>) target(%arg7 : memref<10000xi32, #tpu.memory_space<vmem>>) target_semaphore(%run_scoped3A : memref<!tpu.dma_semaphore, #tpu.memory_space<semaphore_mem>>)
      %dma_wait3A_82 = tpu.memref_slice %arg3[%mul3A_2] : memref<320000xi32, #tpu.memory_space<hbm>> -> memref<10000xi32, #tpu.memory_space<hbm>>
      %dma_wait3A_83 = tpu.memref_slice %arg3[%mul3A_2] : memref<320000xi32, #tpu.memory_space<hbm>> -> memref<10000xi32, #tpu.memory_space<hbm>>
      tpu.wait_dma2 semaphore(%run_scoped3A : memref<!tpu.dma_semaphore, #tpu.memory_space<semaphore_mem>>) src(%dma_wait3A_83 : memref<10000xi32, #tpu.memory_space<hbm>>) dst(%arg7 : memref<10000xi32, #tpu.memory_space<vmem>>)
      tpu.yield
    }) : () -> ()
    %mul3A_3 = arith.constant 640 : i32
    %mul3A_4 = arith.muli %arg1, %mul3A_3 : i32
    %add3A_5 = arith.constant 0 : i32
    %add3A_6 = arith.addi %mul3A_4, %add3A_5 : i32
    "tpu.region"() ({
      %run_scoped3A = tpu.sem_alloc : memref<!tpu.dma_semaphore, #tpu.memory_space<semaphore_mem>>
      %dma_start3A_80 = arith.constant 0 : i32
      %dma_start3A_81 = tpu.memref_slice %arg13[%add3A_6, %dma_start3A_80] : memref<10240x128xf32, #tpu.memory_space<vmem_shared>> -> memref<128x128xf32, #tpu.memory_space<vmem_shared>>
      tpu.enqueue_dma source(%arg5 : memref<128x128xf32, #tpu.memory_space<hbm>>) target(%dma_start3A_81 : memref<128x128xf32, #tpu.memory_space<vmem_shared>>) target_semaphore(%run_scoped3A : memref<!tpu.dma_semaphore, #tpu.memory_space<semaphore_mem>>)
      %dma_wait3A_82 = arith.constant 0 : i32
      %dma_wait3A_83 = tpu.memref_slice %arg13[%add3A_6, %dma_wait3A_82] : memref<10240x128xf32, #tpu.memory_space<vmem_shared>> -> memref<128x128xf32, #tpu.memory_space<vmem_shared>>
      tpu.wait_dma2 semaphore(%run_scoped3A : memref<!tpu.dma_semaphore, #tpu.memory_space<semaphore_mem>>) src(%arg5 : memref<128x128xf32, #tpu.memory_space<hbm>>) dst(%dma_wait3A_83 : memref<128x128xf32, #tpu.memory_space<vmem_shared>>)
      tpu.yield
    }) : () -> ()
    %mul3A_7 = arith.constant 640 : i32
    %mul3A_8 = arith.muli %arg1, %mul3A_7 : i32
    %add3A_9 = arith.constant 128 : i32
    %add3A_10 = arith.addi %mul3A_8, %add3A_9 : i32
    "tpu.region"() ({
      %run_scoped3A = tpu.sem_alloc : memref<!tpu.dma_semaphore, #tpu.memory_space<semaphore_mem>>
      %dma_start3A_80 = arith.constant 0 : i32
      %dma_start3A_81 = tpu.memref_slice %arg13[%add3A_10, %dma_start3A_80] : memref<10240x128xf32, #tpu.memory_space<vmem_shared>> -> memref<128x128xf32, #tpu.memory_space<vmem_shared>>
      tpu.enqueue_dma source(%arg5 : memref<128x128xf32, #tpu.memory_space<hbm>>) target(%dma_start3A_81 : memref<128x128xf32, #tpu.memory_space<vmem_shared>>) target_semaphore(%run_scoped3A : memref<!tpu.dma_semaphore, #tpu.memory_space<semaphore_mem>>)
      %dma_wait3A_82 = arith.constant 0 : i32
      %dma_wait3A_83 = tpu.memref_slice %arg13[%add3A_10, %dma_wait3A_82] : memref<10240x128xf32, #tpu.memory_space<vmem_shared>> -> memref<128x128xf32, #tpu.memory_space<vmem_shared>>
      tpu.wait_dma2 semaphore(%run_scoped3A : memref<!tpu.dma_semaphore, #tpu.memory_space<semaphore_mem>>) src(%arg5 : memref<128x128xf32, #tpu.memory_space<hbm>>) dst(%dma_wait3A_83 : memref<128x128xf32, #tpu.memory_space<vmem_shared>>)
      tpu.yield
    }) : () -> ()
    %mul3A_11 = arith.constant 640 : i32
    %mul3A_12 = arith.muli %arg1, %mul3A_11 : i32
    %add3A_13 = arith.constant 256 : i32
    %add3A_14 = arith.addi %mul3A_12, %add3A_13 : i32
    "tpu.region"() ({
      %run_scoped3A = tpu.sem_alloc : memref<!tpu.dma_semaphore, #tpu.memory_space<semaphore_mem>>
      %dma_start3A_80 = arith.constant 0 : i32
      %dma_start3A_81 = tpu.memref_slice %arg13[%add3A_14, %dma_start3A_80] : memref<10240x128xf32, #tpu.memory_space<vmem_shared>> -> memref<128x128xf32, #tpu.memory_space<vmem_shared>>
      tpu.enqueue_dma source(%arg5 : memref<128x128xf32, #tpu.memory_space<hbm>>) target(%dma_start3A_81 : memref<128x128xf32, #tpu.memory_space<vmem_shared>>) target_semaphore(%run_scoped3A : memref<!tpu.dma_semaphore, #tpu.memory_space<semaphore_mem>>)
      %dma_wait3A_82 = arith.constant 0 : i32
      %dma_wait3A_83 = tpu.memref_slice %arg13[%add3A_14, %dma_wait3A_82] : memref<10240x128xf32, #tpu.memory_space<vmem_shared>> -> memref<128x128xf32, #tpu.memory_space<vmem_shared>>
      tpu.wait_dma2 semaphore(%run_scoped3A : memref<!tpu.dma_semaphore, #tpu.memory_space<semaphore_mem>>) src(%arg5 : memref<128x128xf32, #tpu.memory_space<hbm>>) dst(%dma_wait3A_83 : memref<128x128xf32, #tpu.memory_space<vmem_shared>>)
      tpu.yield
    }) : () -> ()
    %mul3A_15 = arith.constant 640 : i32
    %mul3A_16 = arith.muli %arg1, %mul3A_15 : i32
    %add3A_17 = arith.constant 384 : i32
    %add3A_18 = arith.addi %mul3A_16, %add3A_17 : i32
    "tpu.region"() ({
      %run_scoped3A = tpu.sem_alloc : memref<!tpu.dma_semaphore, #tpu.memory_space<semaphore_mem>>
      %dma_start3A_80 = arith.constant 0 : i32
      %dma_start3A_81 = tpu.memref_slice %arg13[%add3A_18, %dma_start3A_80] : memref<10240x128xf32, #tpu.memory_space<vmem_shared>> -> memref<128x128xf32, #tpu.memory_space<vmem_shared>>
      tpu.enqueue_dma source(%arg5 : memref<128x128xf32, #tpu.memory_space<hbm>>) target(%dma_start3A_81 : memref<128x128xf32, #tpu.memory_space<vmem_shared>>) target_semaphore(%run_scoped3A : memref<!tpu.dma_semaphore, #tpu.memory_space<semaphore_mem>>)
      %dma_wait3A_82 = arith.constant 0 : i32
      %dma_wait3A_83 = tpu.memref_slice %arg13[%add3A_18, %dma_wait3A_82] : memref<10240x128xf32, #tpu.memory_space<vmem_shared>> -> memref<128x128xf32, #tpu.memory_space<vmem_shared>>
      tpu.wait_dma2 semaphore(%run_scoped3A : memref<!tpu.dma_semaphore, #tpu.memory_space<semaphore_mem>>) src(%arg5 : memref<128x128xf32, #tpu.memory_space<hbm>>) dst(%dma_wait3A_83 : memref<128x128xf32, #tpu.memory_space<vmem_shared>>)
      tpu.yield
    }) : () -> ()
    %mul3A_19 = arith.constant 640 : i32
    %mul3A_20 = arith.muli %arg1, %mul3A_19 : i32
    %add3A_21 = arith.constant 512 : i32
    %add3A_22 = arith.addi %mul3A_20, %add3A_21 : i32
    "tpu.region"() ({
      %run_scoped3A = tpu.sem_alloc : memref<!tpu.dma_semaphore, #tpu.memory_space<semaphore_mem>>
      %dma_start3A_80 = arith.constant 0 : i32
      %dma_start3A_81 = tpu.memref_slice %arg13[%add3A_22, %dma_start3A_80] : memref<10240x128xf32, #tpu.memory_space<vmem_shared>> -> memref<128x128xf32, #tpu.memory_space<vmem_shared>>
      tpu.enqueue_dma source(%arg5 : memref<128x128xf32, #tpu.memory_space<hbm>>) target(%dma_start3A_81 : memref<128x128xf32, #tpu.memory_space<vmem_shared>>) target_semaphore(%run_scoped3A : memref<!tpu.dma_semaphore, #tpu.memory_space<semaphore_mem>>)
      %dma_wait3A_82 = arith.constant 0 : i32
      %dma_wait3A_83 = tpu.memref_slice %arg13[%add3A_22, %dma_wait3A_82] : memref<10240x128xf32, #tpu.memory_space<vmem_shared>> -> memref<128x128xf32, #tpu.memory_space<vmem_shared>>
      tpu.wait_dma2 semaphore(%run_scoped3A : memref<!tpu.dma_semaphore, #tpu.memory_space<semaphore_mem>>) src(%arg5 : memref<128x128xf32, #tpu.memory_space<hbm>>) dst(%dma_wait3A_83 : memref<128x128xf32, #tpu.memory_space<vmem_shared>>)
      tpu.yield
    }) : () -> ()
    %barrier3A = arith.constant 0 : index
    tpu.barrier barrier_id(%barrier3A)
    %multiple_of3A = arith.constant 0 : i32
    %multiple_of3A_23 = tpu.assume_multiple %multiple_of3A, 8 : i32
    %dma_start3A = tpu.memref_slice %arg7[%multiple_of3A_23] : memref<10000xi32, #tpu.memory_space<vmem>> -> memref<128xi32, #tpu.memory_space<vmem>>
    %dma_start3A_24 = arith.constant 0 : i32
    %dma_start3A_25 = arith.constant 0 : i32
    %dma_start3A_26 = tpu.memref_slice %arg2[%dma_start3A_24, %dma_start3A_25] : memref<10000x128xf32, #tpu.memory_space<hbm>> -> memref<10000x128xf32, #tpu.memory_space<hbm>>
    tpu.enqueue_indirect_dma source(%dma_start3A_26 : memref<10000x128xf32, #tpu.memory_space<hbm>>) target(%arg11 : memref<128x128xf32, #tpu.memory_space<vmem>>) offsets(%dma_start3A : memref<128xi32, #tpu.memory_space<vmem>>) semaphore(%arg14 : memref<!tpu.dma_semaphore, #tpu.memory_space<semaphore_mem>>)
    %multiple_of3A_27 = arith.constant 128 : i32
    %multiple_of3A_28 = tpu.assume_multiple %multiple_of3A_27, 8 : i32
    %dma_start3A_29 = tpu.memref_slice %arg7[%multiple_of3A_28] : memref<10000xi32, #tpu.memory_space<vmem>> -> memref<128xi32, #tpu.memory_space<vmem>>
    %dma_start3A_30 = arith.constant 0 : i32
    %dma_start3A_31 = arith.constant 0 : i32
    %dma_start3A_32 = tpu.memref_slice %arg2[%dma_start3A_30, %dma_start3A_31] : memref<10000x128xf32, #tpu.memory_space<hbm>> -> memref<10000x128xf32, #tpu.memory_space<hbm>>
    tpu.enqueue_indirect_dma source(%dma_start3A_32 : memref<10000x128xf32, #tpu.memory_space<hbm>>) target(%arg12 : memref<128x128xf32, #tpu.memory_space<vmem>>) offsets(%dma_start3A_29 : memref<128xi32, #tpu.memory_space<vmem>>) semaphore(%arg15 : memref<!tpu.dma_semaphore, #tpu.memory_space<semaphore_mem>>)
    %scan3A = arith.constant 0 : i32
    %scan3A_33 = arith.constant 0 : i32
    %scan3A_34 = arith.constant 38 : i32
    %scan3A_35 = arith.addi %scan3A_33, %scan3A_34 : i32
    %scan3A_36 = arith.constant 1 : i32
    scf.for %scan3A_80 = %scan3A_33 to %scan3A_35 step %scan3A_36  : i32 {
      %mul3A_81 = arith.constant 2 : i32
      %mul3A_82 = arith.muli %scan3A_80, %mul3A_81 : i32
      %add3A_83 = arith.constant 0 : i32
      %add3A_84 = arith.addi %mul3A_82, %add3A_83 : i32
      %mul3A_85 = arith.constant 128 : i32
      %mul3A_86 = arith.muli %add3A_84, %mul3A_85 : i32
      %add3A_87 = arith.addi %mul3A_2, %mul3A_86 : i32
      %multiple_of3A_88 = tpu.assume_multiple %add3A_87, 8 : i32
      "tpu.region"() ({
        %run_scoped3A = tpu.sem_alloc : memref<!tpu.dma_semaphore, #tpu.memory_space<semaphore_mem>>
        %dma_start3A_133 = tpu.memref_slice %arg4[%multiple_of3A_88] : memref<320000xi32, #tpu.memory_space<hbm>> -> memref<128xi32, #tpu.memory_space<hbm>>
        %dma_start3A_134 = tpu.memref_slice %arg4[%multiple_of3A_88] : memref<320000xi32, #tpu.memory_space<hbm>> -> memref<128xi32, #tpu.memory_space<hbm>>
        tpu.enqueue_dma source(%dma_start3A_134 : memref<128xi32, #tpu.memory_space<hbm>>) target(%arg8 : memref<128xi32, #tpu.memory_space<vmem>>) target_semaphore(%run_scoped3A : memref<!tpu.dma_semaphore, #tpu.memory_space<semaphore_mem>>)
        %dma_wait3A_135 = tpu.memref_slice %arg4[%multiple_of3A_88] : memref<320000xi32, #tpu.memory_space<hbm>> -> memref<128xi32, #tpu.memory_space<hbm>>
        %dma_wait3A_136 = tpu.memref_slice %arg4[%multiple_of3A_88] : memref<320000xi32, #tpu.memory_space<hbm>> -> memref<128xi32, #tpu.memory_space<hbm>>
        tpu.wait_dma2 semaphore(%run_scoped3A : memref<!tpu.dma_semaphore, #tpu.memory_space<semaphore_mem>>) src(%dma_wait3A_136 : memref<128xi32, #tpu.memory_space<hbm>>) dst(%arg8 : memref<128xi32, #tpu.memory_space<vmem>>)
        tpu.yield
      }) : () -> ()
      %dma_wait3A_89 = arith.constant 0 : i32
      %dma_wait3A_90 = tpu.memref_slice %arg7[%dma_wait3A_89] : memref<10000xi32, #tpu.memory_space<vmem>> -> memref<128xi32, #tpu.memory_space<vmem>>
      %dma_wait3A_91 = arith.constant 0 : i32
      %dma_wait3A_92 = arith.constant 0 : i32
      %dma_wait3A_93 = tpu.memref_slice %arg2[%dma_wait3A_91, %dma_wait3A_92] : memref<10000x128xf32, #tpu.memory_space<hbm>> -> memref<10000x128xf32, #tpu.memory_space<hbm>>
      tpu.wait_indirect_dma semaphore(%arg14 : memref<!tpu.dma_semaphore, #tpu.memory_space<semaphore_mem>>) src(%dma_wait3A_93 : memref<10000x128xf32, #tpu.memory_space<hbm>>) dst(%arg11 : memref<128x128xf32, #tpu.memory_space<vmem>>)
      "tpu.region"() ({
        %run_scoped3A = tpu.sem_alloc : memref<!tpu.dma_semaphore, #tpu.memory_space<semaphore_mem>>
        %dma_start3A_133 = arith.constant 0 : i32
        %dma_start3A_134 = arith.constant 0 : i32
        %dma_start3A_135 = tpu.memref_slice %arg13[%dma_start3A_133, %dma_start3A_134] : memref<10240x128xf32, #tpu.memory_space<vmem_shared>> -> memref<10240x128xf32, #tpu.memory_space<vmem_shared>>
        tpu.enqueue_indirect_dma source(%arg11 : memref<128x128xf32, #tpu.memory_space<vmem>>) target(%dma_start3A_135 : memref<10240x128xf32, #tpu.memory_space<vmem_shared>>) offsets(%arg8 : memref<128xi32, #tpu.memory_space<vmem>>) semaphore(%run_scoped3A : memref<!tpu.dma_semaphore, #tpu.memory_space<semaphore_mem>>) {add = true}
        %dma_wait3A_136 = arith.constant 0 : i32
        %dma_wait3A_137 = arith.constant 0 : i32
        %dma_wait3A_138 = tpu.memref_slice %arg13[%dma_wait3A_136, %dma_wait3A_137] : memref<10240x128xf32, #tpu.memory_space<vmem_shared>> -> memref<10240x128xf32, #tpu.memory_space<vmem_shared>>
        tpu.wait_indirect_dma semaphore(%run_scoped3A : memref<!tpu.dma_semaphore, #tpu.memory_space<semaphore_mem>>) src(%arg11 : memref<128x128xf32, #tpu.memory_space<vmem>>) dst(%dma_wait3A_138 : memref<10240x128xf32, #tpu.memory_space<vmem_shared>>)
        tpu.yield
      }) : () -> ()
      %mul3A_94 = arith.constant 2 : i32
      %mul3A_95 = arith.muli %scan3A_80, %mul3A_94 : i32
      %add3A_96 = arith.constant 0 : i32
      %add3A_97 = arith.addi %mul3A_95, %add3A_96 : i32
      %add3A_98 = arith.constant 2 : i32
      %add3A_99 = arith.addi %add3A_97, %add3A_98 : i32
      %mul3A_100 = arith.constant 128 : i32
      %mul3A_101 = arith.muli %add3A_99, %mul3A_100 : i32
      %multiple_of3A_102 = tpu.assume_multiple %mul3A_101, 8 : i32
      %dma_start3A_103 = tpu.memref_slice %arg7[%multiple_of3A_102] : memref<10000xi32, #tpu.memory_space<vmem>> -> memref<128xi32, #tpu.memory_space<vmem>>
      %dma_start3A_104 = arith.constant 0 : i32
      %dma_start3A_105 = arith.constant 0 : i32
      %dma_start3A_106 = tpu.memref_slice %arg2[%dma_start3A_104, %dma_start3A_105] : memref<10000x128xf32, #tpu.memory_space<hbm>> -> memref<10000x128xf32, #tpu.memory_space<hbm>>
      tpu.enqueue_indirect_dma source(%dma_start3A_106 : memref<10000x128xf32, #tpu.memory_space<hbm>>) target(%arg11 : memref<128x128xf32, #tpu.memory_space<vmem>>) offsets(%dma_start3A_103 : memref<128xi32, #tpu.memory_space<vmem>>) semaphore(%arg14 : memref<!tpu.dma_semaphore, #tpu.memory_space<semaphore_mem>>)
      %mul3A_107 = arith.constant 2 : i32
      %mul3A_108 = arith.muli %scan3A_80, %mul3A_107 : i32
      %add3A_109 = arith.constant 1 : i32
      %add3A_110 = arith.addi %mul3A_108, %add3A_109 : i32
      %mul3A_111 = arith.constant 128 : i32
      %mul3A_112 = arith.muli %add3A_110, %mul3A_111 : i32
      %add3A_113 = arith.addi %mul3A_2, %mul3A_112 : i32
      %multiple_of3A_114 = tpu.assume_multiple %add3A_113, 8 : i32
      "tpu.region"() ({
        %run_scoped3A = tpu.sem_alloc : memref<!tpu.dma_semaphore, #tpu.memory_space<semaphore_mem>>
        %dma_start3A_133 = tpu.memref_slice %arg4[%multiple_of3A_114] : memref<320000xi32, #tpu.memory_space<hbm>> -> memref<128xi32, #tpu.memory_space<hbm>>
        %dma_start3A_134 = tpu.memref_slice %arg4[%multiple_of3A_114] : memref<320000xi32, #tpu.memory_space<hbm>> -> memref<128xi32, #tpu.memory_space<hbm>>
        tpu.enqueue_dma source(%dma_start3A_134 : memref<128xi32, #tpu.memory_space<hbm>>) target(%arg9 : memref<128xi32, #tpu.memory_space<vmem>>) target_semaphore(%run_scoped3A : memref<!tpu.dma_semaphore, #tpu.memory_space<semaphore_mem>>)
        %dma_wait3A_135 = tpu.memref_slice %arg4[%multiple_of3A_114] : memref<320000xi32, #tpu.memory_space<hbm>> -> memref<128xi32, #tpu.memory_space<hbm>>
        %dma_wait3A_136 = tpu.memref_slice %arg4[%multiple_of3A_114] : memref<320000xi32, #tpu.memory_space<hbm>> -> memref<128xi32, #tpu.memory_space<hbm>>
        tpu.wait_dma2 semaphore(%run_scoped3A : memref<!tpu.dma_semaphore, #tpu.memory_space<semaphore_mem>>) src(%dma_wait3A_136 : memref<128xi32, #tpu.memory_space<hbm>>) dst(%arg9 : memref<128xi32, #tpu.memory_space<vmem>>)
        tpu.yield
      }) : () -> ()
      %dma_wait3A_115 = arith.constant 0 : i32
      %dma_wait3A_116 = tpu.memref_slice %arg7[%dma_wait3A_115] : memref<10000xi32, #tpu.memory_space<vmem>> -> memref<128xi32, #tpu.memory_space<vmem>>
      %dma_wait3A_117 = arith.constant 0 : i32
      %dma_wait3A_118 = arith.constant 0 : i32
      %dma_wait3A_119 = tpu.memref_slice %arg2[%dma_wait3A_117, %dma_wait3A_118] : memref<10000x128xf32, #tpu.memory_space<hbm>> -> memref<10000x128xf32, #tpu.memory_space<hbm>>
      tpu.wait_indirect_dma semaphore(%arg15 : memref<!tpu.dma_semaphore, #tpu.memory_space<semaphore_mem>>) src(%dma_wait3A_119 : memref<10000x128xf32, #tpu.memory_space<hbm>>) dst(%arg12 : memref<128x128xf32, #tpu.memory_space<vmem>>)
      "tpu.region"() ({
        %run_scoped3A = tpu.sem_alloc : memref<!tpu.dma_semaphore, #tpu.memory_space<semaphore_mem>>
        %dma_start3A_133 = arith.constant 0 : i32
        %dma_start3A_134 = arith.constant 0 : i32
        %dma_start3A_135 = tpu.memref_slice %arg13[%dma_start3A_133, %dma_start3A_134] : memref<10240x128xf32, #tpu.memory_space<vmem_shared>> -> memref<10240x128xf32, #tpu.memory_space<vmem_shared>>
        tpu.enqueue_indirect_dma source(%arg12 : memref<128x128xf32, #tpu.memory_space<vmem>>) target(%dma_start3A_135 : memref<10240x128xf32, #tpu.memory_space<vmem_shared>>) offsets(%arg9 : memref<128xi32, #tpu.memory_space<vmem>>) semaphore(%run_scoped3A : memref<!tpu.dma_semaphore, #tpu.memory_space<semaphore_mem>>) {add = true}
        %dma_wait3A_136 = arith.constant 0 : i32
        %dma_wait3A_137 = arith.constant 0 : i32
        %dma_wait3A_138 = tpu.memref_slice %arg13[%dma_wait3A_136, %dma_wait3A_137] : memref<10240x128xf32, #tpu.memory_space<vmem_shared>> -> memref<10240x128xf32, #tpu.memory_space<vmem_shared>>
        tpu.wait_indirect_dma semaphore(%run_scoped3A : memref<!tpu.dma_semaphore, #tpu.memory_space<semaphore_mem>>) src(%arg12 : memref<128x128xf32, #tpu.memory_space<vmem>>) dst(%dma_wait3A_138 : memref<10240x128xf32, #tpu.memory_space<vmem_shared>>)
        tpu.yield
      }) : () -> ()
      %mul3A_120 = arith.constant 2 : i32
      %mul3A_121 = arith.muli %scan3A_80, %mul3A_120 : i32
      %add3A_122 = arith.constant 1 : i32
      %add3A_123 = arith.addi %mul3A_121, %add3A_122 : i32
      %add3A_124 = arith.constant 2 : i32
      %add3A_125 = arith.addi %add3A_123, %add3A_124 : i32
      %mul3A_126 = arith.constant 128 : i32
      %mul3A_127 = arith.muli %add3A_125, %mul3A_126 : i32
      %multiple_of3A_128 = tpu.assume_multiple %mul3A_127, 8 : i32
      %dma_start3A_129 = tpu.memref_slice %arg7[%multiple_of3A_128] : memref<10000xi32, #tpu.memory_space<vmem>> -> memref<128xi32, #tpu.memory_space<vmem>>
      %dma_start3A_130 = arith.constant 0 : i32
      %dma_start3A_131 = arith.constant 0 : i32
      %dma_start3A_132 = tpu.memref_slice %arg2[%dma_start3A_130, %dma_start3A_131] : memref<10000x128xf32, #tpu.memory_space<hbm>> -> memref<10000x128xf32, #tpu.memory_space<hbm>>
      tpu.enqueue_indirect_dma source(%dma_start3A_132 : memref<10000x128xf32, #tpu.memory_space<hbm>>) target(%arg12 : memref<128x128xf32, #tpu.memory_space<vmem>>) offsets(%dma_start3A_129 : memref<128xi32, #tpu.memory_space<vmem>>) semaphore(%arg15 : memref<!tpu.dma_semaphore, #tpu.memory_space<semaphore_mem>>)
    }
    %scan3A_37 = arith.constant 38 : i32
    %add3A_38 = arith.constant 9728 : i32
    %add3A_39 = arith.addi %mul3A_2, %add3A_38 : i32
    %multiple_of3A_40 = tpu.assume_multiple %add3A_39, 8 : i32
    "tpu.region"() ({
      %run_scoped3A = tpu.sem_alloc : memref<!tpu.dma_semaphore, #tpu.memory_space<semaphore_mem>>
      %dma_start3A_80 = tpu.memref_slice %arg4[%multiple_of3A_40] : memref<320000xi32, #tpu.memory_space<hbm>> -> memref<128xi32, #tpu.memory_space<hbm>>
      %dma_start3A_81 = tpu.memref_slice %arg4[%multiple_of3A_40] : memref<320000xi32, #tpu.memory_space<hbm>> -> memref<128xi32, #tpu.memory_space<hbm>>
      tpu.enqueue_dma source(%dma_start3A_81 : memref<128xi32, #tpu.memory_space<hbm>>) target(%arg8 : memref<128xi32, #tpu.memory_space<vmem>>) target_semaphore(%run_scoped3A : memref<!tpu.dma_semaphore, #tpu.memory_space<semaphore_mem>>)
      %dma_wait3A_82 = tpu.memref_slice %arg4[%multiple_of3A_40] : memref<320000xi32, #tpu.memory_space<hbm>> -> memref<128xi32, #tpu.memory_space<hbm>>
      %dma_wait3A_83 = tpu.memref_slice %arg4[%multiple_of3A_40] : memref<320000xi32, #tpu.memory_space<hbm>> -> memref<128xi32, #tpu.memory_space<hbm>>
      tpu.wait_dma2 semaphore(%run_scoped3A : memref<!tpu.dma_semaphore, #tpu.memory_space<semaphore_mem>>) src(%dma_wait3A_83 : memref<128xi32, #tpu.memory_space<hbm>>) dst(%arg8 : memref<128xi32, #tpu.memory_space<vmem>>)
      tpu.yield
    }) : () -> ()
    %dma_wait3A = arith.constant 0 : i32
    %dma_wait3A_41 = tpu.memref_slice %arg7[%dma_wait3A] : memref<10000xi32, #tpu.memory_space<vmem>> -> memref<128xi32, #tpu.memory_space<vmem>>
    %dma_wait3A_42 = arith.constant 0 : i32
    %dma_wait3A_43 = arith.constant 0 : i32
    %dma_wait3A_44 = tpu.memref_slice %arg2[%dma_wait3A_42, %dma_wait3A_43] : memref<10000x128xf32, #tpu.memory_space<hbm>> -> memref<10000x128xf32, #tpu.memory_space<hbm>>
    tpu.wait_indirect_dma semaphore(%arg14 : memref<!tpu.dma_semaphore, #tpu.memory_space<semaphore_mem>>) src(%dma_wait3A_44 : memref<10000x128xf32, #tpu.memory_space<hbm>>) dst(%arg11 : memref<128x128xf32, #tpu.memory_space<vmem>>)
    "tpu.region"() ({
      %run_scoped3A = tpu.sem_alloc : memref<!tpu.dma_semaphore, #tpu.memory_space<semaphore_mem>>
      %dma_start3A_80 = arith.constant 0 : i32
      %dma_start3A_81 = arith.constant 0 : i32
      %dma_start3A_82 = tpu.memref_slice %arg13[%dma_start3A_80, %dma_start3A_81] : memref<10240x128xf32, #tpu.memory_space<vmem_shared>> -> memref<10240x128xf32, #tpu.memory_space<vmem_shared>>
      tpu.enqueue_indirect_dma source(%arg11 : memref<128x128xf32, #tpu.memory_space<vmem>>) target(%dma_start3A_82 : memref<10240x128xf32, #tpu.memory_space<vmem_shared>>) offsets(%arg8 : memref<128xi32, #tpu.memory_space<vmem>>) semaphore(%run_scoped3A : memref<!tpu.dma_semaphore, #tpu.memory_space<semaphore_mem>>) {add = true}
      %dma_wait3A_83 = arith.constant 0 : i32
      %dma_wait3A_84 = arith.constant 0 : i32
      %dma_wait3A_85 = tpu.memref_slice %arg13[%dma_wait3A_83, %dma_wait3A_84] : memref<10240x128xf32, #tpu.memory_space<vmem_shared>> -> memref<10240x128xf32, #tpu.memory_space<vmem_shared>>
      tpu.wait_indirect_dma semaphore(%run_scoped3A : memref<!tpu.dma_semaphore, #tpu.memory_space<semaphore_mem>>) src(%arg11 : memref<128x128xf32, #tpu.memory_space<vmem>>) dst(%dma_wait3A_85 : memref<10240x128xf32, #tpu.memory_space<vmem_shared>>)
      tpu.yield
    }) : () -> ()
    %add3A_45 = arith.constant 9856 : i32
    %add3A_46 = arith.addi %mul3A_2, %add3A_45 : i32
    %multiple_of3A_47 = tpu.assume_multiple %add3A_46, 8 : i32
    "tpu.region"() ({
      %run_scoped3A = tpu.sem_alloc : memref<!tpu.dma_semaphore, #tpu.memory_space<semaphore_mem>>
      %dma_start3A_80 = tpu.memref_slice %arg4[%multiple_of3A_47] : memref<320000xi32, #tpu.memory_space<hbm>> -> memref<128xi32, #tpu.memory_space<hbm>>
      %dma_start3A_81 = tpu.memref_slice %arg4[%multiple_of3A_47] : memref<320000xi32, #tpu.memory_space<hbm>> -> memref<128xi32, #tpu.memory_space<hbm>>
      tpu.enqueue_dma source(%dma_start3A_81 : memref<128xi32, #tpu.memory_space<hbm>>) target(%arg9 : memref<128xi32, #tpu.memory_space<vmem>>) target_semaphore(%run_scoped3A : memref<!tpu.dma_semaphore, #tpu.memory_space<semaphore_mem>>)
      %dma_wait3A_82 = tpu.memref_slice %arg4[%multiple_of3A_47] : memref<320000xi32, #tpu.memory_space<hbm>> -> memref<128xi32, #tpu.memory_space<hbm>>
      %dma_wait3A_83 = tpu.memref_slice %arg4[%multiple_of3A_47] : memref<320000xi32, #tpu.memory_space<hbm>> -> memref<128xi32, #tpu.memory_space<hbm>>
      tpu.wait_dma2 semaphore(%run_scoped3A : memref<!tpu.dma_semaphore, #tpu.memory_space<semaphore_mem>>) src(%dma_wait3A_83 : memref<128xi32, #tpu.memory_space<hbm>>) dst(%arg9 : memref<128xi32, #tpu.memory_space<vmem>>)
      tpu.yield
    }) : () -> ()
    %dma_wait3A_48 = arith.constant 0 : i32
    %dma_wait3A_49 = tpu.memref_slice %arg7[%dma_wait3A_48] : memref<10000xi32, #tpu.memory_space<vmem>> -> memref<128xi32, #tpu.memory_space<vmem>>
    %dma_wait3A_50 = arith.constant 0 : i32
    %dma_wait3A_51 = arith.constant 0 : i32
    %dma_wait3A_52 = tpu.memref_slice %arg2[%dma_wait3A_50, %dma_wait3A_51] : memref<10000x128xf32, #tpu.memory_space<hbm>> -> memref<10000x128xf32, #tpu.memory_space<hbm>>
    tpu.wait_indirect_dma semaphore(%arg15 : memref<!tpu.dma_semaphore, #tpu.memory_space<semaphore_mem>>) src(%dma_wait3A_52 : memref<10000x128xf32, #tpu.memory_space<hbm>>) dst(%arg12 : memref<128x128xf32, #tpu.memory_space<vmem>>)
    "tpu.region"() ({
      %run_scoped3A = tpu.sem_alloc : memref<!tpu.dma_semaphore, #tpu.memory_space<semaphore_mem>>
      %dma_start3A_80 = arith.constant 0 : i32
      %dma_start3A_81 = arith.constant 0 : i32
      %dma_start3A_82 = tpu.memref_slice %arg13[%dma_start3A_80, %dma_start3A_81] : memref<10240x128xf32, #tpu.memory_space<vmem_shared>> -> memref<10240x128xf32, #tpu.memory_space<vmem_shared>>
      tpu.enqueue_indirect_dma source(%arg12 : memref<128x128xf32, #tpu.memory_space<vmem>>) target(%dma_start3A_82 : memref<10240x128xf32, #tpu.memory_space<vmem_shared>>) offsets(%arg9 : memref<128xi32, #tpu.memory_space<vmem>>) semaphore(%run_scoped3A : memref<!tpu.dma_semaphore, #tpu.memory_space<semaphore_mem>>) {add = true}
      %dma_wait3A_83 = arith.constant 0 : i32
      %dma_wait3A_84 = arith.constant 0 : i32
      %dma_wait3A_85 = tpu.memref_slice %arg13[%dma_wait3A_83, %dma_wait3A_84] : memref<10240x128xf32, #tpu.memory_space<vmem_shared>> -> memref<10240x128xf32, #tpu.memory_space<vmem_shared>>
      tpu.wait_indirect_dma semaphore(%run_scoped3A : memref<!tpu.dma_semaphore, #tpu.memory_space<semaphore_mem>>) src(%arg12 : memref<128x128xf32, #tpu.memory_space<vmem>>) dst(%dma_wait3A_85 : memref<10240x128xf32, #tpu.memory_space<vmem_shared>>)
      tpu.yield
    }) : () -> ()
    %add3A_53 = arith.constant 9984 : i32
    %add3A_54 = arith.addi %mul3A_2, %add3A_53 : i32
    %multiple_of3A_55 = tpu.assume_multiple %add3A_54, 8 : i32
    "tpu.region"() ({
      %run_scoped3A = tpu.sem_alloc : memref<!tpu.dma_semaphore, #tpu.memory_space<semaphore_mem>>
      %dma_start3A_80 = tpu.memref_slice %arg4[%multiple_of3A_55] : memref<320000xi32, #tpu.memory_space<hbm>> -> memref<16xi32, #tpu.memory_space<hbm>>
      %dma_start3A_81 = tpu.memref_slice %arg4[%multiple_of3A_55] : memref<320000xi32, #tpu.memory_space<hbm>> -> memref<16xi32, #tpu.memory_space<hbm>>
      tpu.enqueue_dma source(%dma_start3A_81 : memref<16xi32, #tpu.memory_space<hbm>>) target(%arg10 : memref<16xi32, #tpu.memory_space<vmem>>) target_semaphore(%run_scoped3A : memref<!tpu.dma_semaphore, #tpu.memory_space<semaphore_mem>>)
      %dma_wait3A_82 = tpu.memref_slice %arg4[%multiple_of3A_55] : memref<320000xi32, #tpu.memory_space<hbm>> -> memref<16xi32, #tpu.memory_space<hbm>>
      %dma_wait3A_83 = tpu.memref_slice %arg4[%multiple_of3A_55] : memref<320000xi32, #tpu.memory_space<hbm>> -> memref<16xi32, #tpu.memory_space<hbm>>
      tpu.wait_dma2 semaphore(%run_scoped3A : memref<!tpu.dma_semaphore, #tpu.memory_space<semaphore_mem>>) src(%dma_wait3A_83 : memref<16xi32, #tpu.memory_space<hbm>>) dst(%arg10 : memref<16xi32, #tpu.memory_space<vmem>>)
      tpu.yield
    }) : () -> ()
    %multiple_of3A_56 = arith.constant 9984 : i32
    %multiple_of3A_57 = tpu.assume_multiple %multiple_of3A_56, 8 : i32
    %dma_start3A_58 = arith.constant 0 : i32
    %dma_start3A_59 = arith.constant 0 : i32
    %dma_start3A_60 = tpu.memref_slice %arg11[%dma_start3A_58, %dma_start3A_59] : memref<128x128xf32, #tpu.memory_space<vmem>> -> memref<16x128xf32, #tpu.memory_space<vmem>>
    %dma_start3A_61 = tpu.memref_slice %arg7[%multiple_of3A_57] : memref<10000xi32, #tpu.memory_space<vmem>> -> memref<16xi32, #tpu.memory_space<vmem>>
    %dma_start3A_62 = arith.constant 0 : i32
    %dma_start3A_63 = arith.constant 0 : i32
    %dma_start3A_64 = tpu.memref_slice %arg2[%dma_start3A_62, %dma_start3A_63] : memref<10000x128xf32, #tpu.memory_space<hbm>> -> memref<10000x128xf32, #tpu.memory_space<hbm>>
    tpu.enqueue_indirect_dma source(%dma_start3A_64 : memref<10000x128xf32, #tpu.memory_space<hbm>>) target(%dma_start3A_60 : memref<16x128xf32, #tpu.memory_space<vmem>>) offsets(%dma_start3A_61 : memref<16xi32, #tpu.memory_space<vmem>>) semaphore(%arg14 : memref<!tpu.dma_semaphore, #tpu.memory_space<semaphore_mem>>)
    %dma_wait3A_65 = arith.constant 0 : i32
    %dma_wait3A_66 = arith.constant 0 : i32
    %dma_wait3A_67 = tpu.memref_slice %arg11[%dma_wait3A_65, %dma_wait3A_66] : memref<128x128xf32, #tpu.memory_space<vmem>> -> memref<16x128xf32, #tpu.memory_space<vmem>>
    %dma_wait3A_68 = tpu.memref_slice %arg7[%multiple_of3A_57] : memref<10000xi32, #tpu.memory_space<vmem>> -> memref<16xi32, #tpu.memory_space<vmem>>
    %dma_wait3A_69 = arith.constant 0 : i32
    %dma_wait3A_70 = arith.constant 0 : i32
    %dma_wait3A_71 = tpu.memref_slice %arg2[%dma_wait3A_69, %dma_wait3A_70] : memref<10000x128xf32, #tpu.memory_space<hbm>> -> memref<10000x128xf32, #tpu.memory_space<hbm>>
    tpu.wait_indirect_dma semaphore(%arg14 : memref<!tpu.dma_semaphore, #tpu.memory_space<semaphore_mem>>) src(%dma_wait3A_71 : memref<10000x128xf32, #tpu.memory_space<hbm>>) dst(%dma_wait3A_67 : memref<16x128xf32, #tpu.memory_space<vmem>>)
    "tpu.region"() ({
      %run_scoped3A = tpu.sem_alloc : memref<!tpu.dma_semaphore, #tpu.memory_space<semaphore_mem>>
      %dma_start3A_80 = arith.constant 0 : i32
      %dma_start3A_81 = arith.constant 0 : i32
      %dma_start3A_82 = tpu.memref_slice %arg11[%dma_start3A_80, %dma_start3A_81] : memref<128x128xf32, #tpu.memory_space<vmem>> -> memref<16x128xf32, #tpu.memory_space<vmem>>
      %dma_start3A_83 = arith.constant 0 : i32
      %dma_start3A_84 = arith.constant 0 : i32
      %dma_start3A_85 = tpu.memref_slice %arg13[%dma_start3A_83, %dma_start3A_84] : memref<10240x128xf32, #tpu.memory_space<vmem_shared>> -> memref<10240x128xf32, #tpu.memory_space<vmem_shared>>
      tpu.enqueue_indirect_dma source(%dma_start3A_82 : memref<16x128xf32, #tpu.memory_space<vmem>>) target(%dma_start3A_85 : memref<10240x128xf32, #tpu.memory_space<vmem_shared>>) offsets(%arg10 : memref<16xi32, #tpu.memory_space<vmem>>) semaphore(%run_scoped3A : memref<!tpu.dma_semaphore, #tpu.memory_space<semaphore_mem>>) {add = true}
      %dma_wait3A_86 = arith.constant 0 : i32
      %dma_wait3A_87 = arith.constant 0 : i32
      %dma_wait3A_88 = tpu.memref_slice %arg11[%dma_wait3A_86, %dma_wait3A_87] : memref<128x128xf32, #tpu.memory_space<vmem>> -> memref<16x128xf32, #tpu.memory_space<vmem>>
      %dma_wait3A_89 = arith.constant 0 : i32
      %dma_wait3A_90 = arith.constant 0 : i32
      %dma_wait3A_91 = tpu.memref_slice %arg13[%dma_wait3A_89, %dma_wait3A_90] : memref<10240x128xf32, #tpu.memory_space<vmem_shared>> -> memref<10240x128xf32, #tpu.memory_space<vmem_shared>>
      tpu.wait_indirect_dma semaphore(%run_scoped3A : memref<!tpu.dma_semaphore, #tpu.memory_space<semaphore_mem>>) src(%dma_wait3A_88 : memref<16x128xf32, #tpu.memory_space<vmem>>) dst(%dma_wait3A_91 : memref<10240x128xf32, #tpu.memory_space<vmem_shared>>)
      tpu.yield
    }) : () -> ()
    %barrier3A_72 = arith.constant 0 : index
    tpu.barrier barrier_id(%barrier3A_72)
    %mul3A_73 = arith.constant 640 : i32
    %mul3A_74 = arith.muli %arg1, %mul3A_73 : i32
    %mul3A_75 = arith.constant 10240 : i32
    %mul3A_76 = arith.muli %arg0, %mul3A_75 : i32
    %mul3A_77 = arith.constant 640 : i32
    %mul3A_78 = arith.muli %arg1, %mul3A_77 : i32
    %add3A_79 = arith.addi %mul3A_76, %mul3A_78 : i32
    "tpu.region"() ({
      %run_scoped3A = tpu.sem_alloc : memref<!tpu.dma_semaphore, #tpu.memory_space<semaphore_mem>>
      %dma_start3A_80 = arith.constant 0 : i32
      %dma_start3A_81 = tpu.memref_slice %arg6[%add3A_79, %dma_start3A_80] : memref<20480x128xf32, #tpu.memory_space<hbm>> -> memref<640x128xf32, #tpu.memory_space<hbm>>
      %dma_start3A_82 = arith.constant 0 : i32
      %dma_start3A_83 = tpu.memref_slice %arg13[%mul3A_74, %dma_start3A_82] : memref<10240x128xf32, #tpu.memory_space<vmem_shared>> -> memref<640x128xf32, #tpu.memory_space<vmem_shared>>
      tpu.enqueue_dma source(%dma_start3A_83 : memref<640x128xf32, #tpu.memory_space<vmem_shared>>) target(%dma_start3A_81 : memref<640x128xf32, #tpu.memory_space<hbm>>) target_semaphore(%run_scoped3A : memref<!tpu.dma_semaphore, #tpu.memory_space<semaphore_mem>>)
      %dma_wait3A_84 = arith.constant 0 : i32
      %dma_wait3A_85 = tpu.memref_slice %arg6[%add3A_79, %dma_wait3A_84] : memref<20480x128xf32, #tpu.memory_space<hbm>> -> memref<640x128xf32, #tpu.memory_space<hbm>>
      %dma_wait3A_86 = arith.constant 0 : i32
      %dma_wait3A_87 = tpu.memref_slice %arg13[%mul3A_74, %dma_wait3A_86] : memref<10240x128xf32, #tpu.memory_space<vmem_shared>> -> memref<640x128xf32, #tpu.memory_space<vmem_shared>>
      tpu.wait_dma2 semaphore(%run_scoped3A : memref<!tpu.dma_semaphore, #tpu.memory_space<semaphore_mem>>) src(%dma_wait3A_87 : memref<640x128xf32, #tpu.memory_space<vmem_shared>>) dst(%dma_wait3A_85 : memref<640x128xf32, #tpu.memory_space<hbm>>)
      tpu.yield
    }) : () -> ()
    return
  }
}

module attributes {stable_mosaic.version = 14 : i64} {
  func.func @_scale_body(%arg0: i32, %arg1: memref<1000x128xf32, #tpu.memory_space<vmem>>, %arg2: memref<1000x128xf32, #tpu.memory_space<vmem>>, %arg3: memref<1000x128xf32, #tpu.memory_space<vmem>>, %arg4: memref<1000x128xf32, #tpu.memory_space<vmem>>) attributes {dimension_semantics = [#tpu.dimension_semantics<arbitrary>], iteration_bounds = array<i64: 10>, scalar_prefetch = 0 : i64, scratch_operands = 0 : i64, tpu.core_type = #tpu.core_type<tc>, window_params = [{transform_indices = @transform_0, window_bounds = array<i64: 1000, 128>}, {transform_indices = @transform_1, window_bounds = array<i64: 1000, 128>}, {transform_indices = @transform_2, window_bounds = array<i64: 1000, 128>}, {transform_indices = @transform_3, window_bounds = array<i64: 1000, 128>}]} {
    %get3A = arith.constant 0 : index
    %get3A_0 = arith.constant 0 : index
    %get3A_1 = vector.load %arg1[%get3A, %get3A_0] : memref<1000x128xf32, #tpu.memory_space<vmem>>, vector<1000x1xf32>
    %get3A_2 = arith.constant 0 : index
    %get3A_3 = arith.constant 0 : index
    %get3A_4 = vector.load %arg2[%get3A_2, %get3A_3] : memref<1000x128xf32, #tpu.memory_space<vmem>>, vector<1000x1xf32>
    %add3A = arith.addf %get3A_1, %get3A_4 : vector<1000x1xf32>
    %add3A_5 = arith.constant 1.000000e+00 : f32
    %add3A_6 = vector.broadcast %add3A_5 : f32 to vector<1000x1xf32>
    %add3A_7 = arith.addf %add3A, %add3A_6 : vector<1000x1xf32>
    %rsqrt3A = math.rsqrt %add3A_7 : vector<1000x1xf32>
    %get3A_8 = arith.constant 0 : index
    %get3A_9 = arith.constant 0 : index
    %get3A_10 = vector.load %arg3[%get3A_8, %get3A_9] : memref<1000x128xf32, #tpu.memory_space<vmem>>, vector<1000x128xf32>
    %mul3A = vector.broadcast %rsqrt3A : vector<1000x1xf32> to vector<1000x128xf32>
    %mul3A_11 = arith.mulf %get3A_10, %mul3A : vector<1000x128xf32>
    %swap3A = arith.constant 0 : index
    %swap3A_12 = arith.constant 0 : index
    %swap3A_13 = vector.load %arg4[%swap3A, %swap3A_12] : memref<1000x128xf32, #tpu.memory_space<vmem>>, vector<1000x128xf32>
    tpu.vector_store %arg4[%swap3A, %swap3A_12], %mul3A_11 {strides = array<i32>} : memref<1000x128xf32, #tpu.memory_space<vmem>>, vector<1000x128xf32>,
    return
  }
  func.func @transform_0(%arg0: i32) -> (i32, i32) {
    %c0_i32 = arith.constant 0 : i32
    %c0_i32_0 = arith.constant 0 : i32
    return %arg0, %c0_i32 : i32, i32
  }
  func.func @transform_1(%arg0: i32) -> (i32, i32) {
    %c0_i32 = arith.constant 0 : i32
    %c0_i32_0 = arith.constant 0 : i32
    return %arg0, %c0_i32 : i32, i32
  }
  func.func @transform_2(%arg0: i32) -> (i32, i32) {
    %c0_i32 = arith.constant 0 : i32
    %c0_i32_0 = arith.constant 0 : i32
    return %arg0, %c0_i32 : i32, i32
  }
  func.func @transform_3(%arg0: i32) -> (i32, i32) {
    %c0_i32 = arith.constant 0 : i32
    %c0_i32_0 = arith.constant 0 : i32
    return %arg0, %c0_i32 : i32, i32
  }
}

module attributes {stable_mosaic.version = 14 : i64} {
  func.func @_heads_body(%arg0: i32, %arg1: memref<1000x128xf32, #tpu.memory_space<vmem>>, %arg2: memref<1000x128xf32, #tpu.memory_space<vmem>>, %arg3: memref<1000x128xf32, #tpu.memory_space<vmem>>, %arg4: memref<1000x128xf32, #tpu.memory_space<vmem>>, %arg5: memref<1000x128xf32, #tpu.memory_space<vmem>>, %arg6: memref<128x128xf32, #tpu.memory_space<vmem>>, %arg7: memref<1x128xf32, #tpu.memory_space<vmem>>, %arg8: memref<128x128xf32, #tpu.memory_space<vmem>>, %arg9: memref<1x128xf32, #tpu.memory_space<vmem>>, %arg10: memref<128x128xf32, #tpu.memory_space<vmem>>, %arg11: memref<1x128xf32, #tpu.memory_space<vmem>>, %arg12: memref<1000x128xf32, #tpu.memory_space<vmem>>, %arg13: memref<1000x128xf32, #tpu.memory_space<vmem>>, %arg14: memref<1000x128xf32, #tpu.memory_space<vmem>>, %arg15: memref<1000x128xf32, #tpu.memory_space<vmem>>) attributes {dimension_semantics = [#tpu.dimension_semantics<arbitrary>], iteration_bounds = array<i64: 10>, scalar_prefetch = 0 : i64, scratch_operands = 0 : i64, tpu.core_type = #tpu.core_type<tc>, window_params = [{transform_indices = @transform_0, window_bounds = array<i64: 1000, 128>}, {transform_indices = @transform_1, window_bounds = array<i64: 1000, 128>}, {transform_indices = @transform_2, window_bounds = array<i64: 1000, 128>}, {transform_indices = @transform_3, window_bounds = array<i64: 1000, 128>}, {transform_indices = @transform_4, window_bounds = array<i64: 1000, 128>}, {pipeline_mode = #tpu.pipeline_mode<synchronous>, transform_indices = @transform_5, window_bounds = array<i64: 128, 128>}, {pipeline_mode = #tpu.pipeline_mode<synchronous>, transform_indices = @transform_6, window_bounds = array<i64: 1, 128>}, {pipeline_mode = #tpu.pipeline_mode<synchronous>, transform_indices = @transform_7, window_bounds = array<i64: 128, 128>}, {pipeline_mode = #tpu.pipeline_mode<synchronous>, transform_indices = @transform_8, window_bounds = array<i64: 1, 128>}, {pipeline_mode = #tpu.pipeline_mode<synchronous>, transform_indices = @transform_9, window_bounds = array<i64: 128, 128>}, {pipeline_mode = #tpu.pipeline_mode<synchronous>, transform_indices = @transform_10, window_bounds = array<i64: 1, 128>}, {transform_indices = @transform_11, window_bounds = array<i64: 1000, 128>}, {transform_indices = @transform_12, window_bounds = array<i64: 1000, 128>}, {transform_indices = @transform_13, window_bounds = array<i64: 1000, 128>}, {transform_indices = @transform_14, window_bounds = array<i64: 1000, 128>}]} {
    %get3A = arith.constant 0 : index
    %get3A_0 = arith.constant 0 : index
    %get3A_1 = vector.load %arg4[%get3A, %get3A_0] : memref<1000x128xf32, #tpu.memory_space<vmem>>, vector<1000x1xf32>
    %get3A_2 = arith.constant 0 : index
    %get3A_3 = arith.constant 0 : index
    %get3A_4 = vector.load %arg5[%get3A_2, %get3A_3] : memref<1000x128xf32, #tpu.memory_space<vmem>>, vector<1000x1xf32>
    %add3A = arith.addf %get3A_1, %get3A_4 : vector<1000x1xf32>
    %add3A_5 = arith.constant 1.000000e+00 : f32
    %add3A_6 = vector.broadcast %add3A_5 : f32 to vector<1000x1xf32>
    %add3A_7 = arith.addf %add3A, %add3A_6 : vector<1000x1xf32>
    %rsqrt3A = math.rsqrt %add3A_7 : vector<1000x1xf32>
    %get3A_8 = arith.constant 0 : index
    %get3A_9 = arith.constant 0 : index
    %get3A_10 = vector.load %arg1[%get3A_8, %get3A_9] : memref<1000x128xf32, #tpu.memory_space<vmem>>, vector<1000x128xf32>
    %get3A_11 = arith.constant 0 : index
    %get3A_12 = arith.constant 0 : index
    %get3A_13 = vector.load %arg2[%get3A_11, %get3A_12] : memref<1000x128xf32, #tpu.memory_space<vmem>>, vector<1000x128xf32>
    %add3A_14 = arith.addf %get3A_10, %get3A_13 : vector<1000x128xf32>
    %get3A_15 = arith.constant 0 : index
    %get3A_16 = arith.constant 0 : index
    %get3A_17 = vector.load %arg3[%get3A_15, %get3A_16] : memref<1000x128xf32, #tpu.memory_space<vmem>>, vector<1000x128xf32>
    %add3A_18 = arith.addf %add3A_14, %get3A_17 : vector<1000x128xf32>
    %mul3A = vector.broadcast %rsqrt3A : vector<1000x1xf32> to vector<1000x128xf32>
    %mul3A_19 = arith.mulf %mul3A, %add3A_18 : vector<1000x128xf32>
    %get3A_20 = arith.constant 0 : index
    %get3A_21 = arith.constant 0 : index
    %get3A_22 = vector.load %arg6[%get3A_20, %get3A_21] : memref<128x128xf32, #tpu.memory_space<vmem>>, vector<128x128xf32>
    %dot_general3A = arith.constant dense<0.000000e+00> : vector<1000x128xf32>
    %dot_general3A_23 = tpu.matmul %mul3A_19, %get3A_22, %dot_general3A {dimension_numbers = #tpu.dot_dimension_numbers<[1], [0], [0], [1], [0, 0, 1, 1], [], []>, precision = #tpu.contract_precision<fp32>, transpose_lhs_hint = false} : vector<1000x128xf32>, vector<128x128xf32>, vector<1000x128xf32> -> vector<1000x128xf32>
    %get3A_24 = arith.constant 0 : index
    %get3A_25 = arith.constant 0 : index
    %get3A_26 = vector.load %arg7[%get3A_24, %get3A_25] : memref<1x128xf32, #tpu.memory_space<vmem>>, vector<1x128xf32>
    %add3A_27 = vector.broadcast %get3A_26 : vector<1x128xf32> to vector<1000x128xf32>
    %add3A_28 = arith.addf %dot_general3A_23, %add3A_27 : vector<1000x128xf32>
    %get3A_29 = arith.constant 0 : index
    %get3A_30 = arith.constant 0 : index
    %get3A_31 = vector.load %arg8[%get3A_29, %get3A_30] : memref<128x128xf32, #tpu.memory_space<vmem>>, vector<128x128xf32>
    %dot_general3A_32 = arith.constant dense<0.000000e+00> : vector<1000x128xf32>
    %dot_general3A_33 = tpu.matmul %add3A_28, %get3A_31, %dot_general3A_32 {dimension_numbers = #tpu.dot_dimension_numbers<[1], [1], [0], [0], [0, 0, 1, 0], [], []>, precision = #tpu.contract_precision<fp32>, transpose_lhs_hint = false} : vector<1000x128xf32>, vector<128x128xf32>, vector<1000x128xf32> -> vector<1000x128xf32>
    %get3A_34 = arith.constant 0 : index
    %get3A_35 = arith.constant 0 : index
    %get3A_36 = vector.load %arg9[%get3A_34, %get3A_35] : memref<1x128xf32, #tpu.memory_space<vmem>>, vector<1x128xf32>
    %add3A_37 = vector.broadcast %get3A_36 : vector<1x128xf32> to vector<1000x128xf32>
    %add3A_38 = arith.addf %dot_general3A_33, %add3A_37 : vector<1000x128xf32>
    %get3A_39 = arith.constant 0 : index
    %get3A_40 = arith.constant 0 : index
    %get3A_41 = vector.load %arg10[%get3A_39, %get3A_40] : memref<128x128xf32, #tpu.memory_space<vmem>>, vector<128x128xf32>
    %dot_general3A_42 = arith.constant dense<0.000000e+00> : vector<1000x128xf32>
    %dot_general3A_43 = tpu.matmul %add3A_28, %get3A_41, %dot_general3A_42 {dimension_numbers = #tpu.dot_dimension_numbers<[1], [1], [0], [0], [0, 0, 1, 0], [], []>, precision = #tpu.contract_precision<fp32>, transpose_lhs_hint = false} : vector<1000x128xf32>, vector<128x128xf32>, vector<1000x128xf32> -> vector<1000x128xf32>
    %get3A_44 = arith.constant 0 : index
    %get3A_45 = arith.constant 0 : index
    %get3A_46 = vector.load %arg11[%get3A_44, %get3A_45] : memref<1x128xf32, #tpu.memory_space<vmem>>, vector<1x128xf32>
    %add3A_47 = vector.broadcast %get3A_46 : vector<1x128xf32> to vector<1000x128xf32>
    %add3A_48 = arith.addf %dot_general3A_43, %add3A_47 : vector<1000x128xf32>
    %max3A = arith.constant 0.000000e+00 : f32
    %max3A_49 = vector.broadcast %max3A : f32 to vector<1000x128xf32>
    %max3A_50 = arith.maximumf %add3A_48, %max3A_49 : vector<1000x128xf32>
    %abs3A = math.absf %add3A_48 : vector<1000x128xf32>
    %neg3A = arith.constant 0.000000e+00 : f32
    %neg3A_51 = vector.broadcast %neg3A : f32 to vector<1000x128xf32>
    %neg3A_52 = arith.subf %neg3A_51, %abs3A : vector<1000x128xf32>
    %exp3A = math.exp %neg3A_52 : vector<1000x128xf32>
    %log1p3A = math.log1p %exp3A : vector<1000x128xf32>
    %add3A_53 = arith.addf %max3A_50, %log1p3A : vector<1000x128xf32>
    %add3A_54 = arith.constant 9.99999993E-9 : f32
    %add3A_55 = vector.broadcast %add3A_54 : f32 to vector<1000x128xf32>
    %add3A_56 = arith.addf %add3A_53, %add3A_55 : vector<1000x128xf32>
    %swap3A = arith.constant 0 : index
    %swap3A_57 = arith.constant 0 : index
    %swap3A_58 = vector.load %arg14[%swap3A, %swap3A_57] : memref<1000x128xf32, #tpu.memory_space<vmem>>, vector<1000x128xf32>
    tpu.vector_store %arg14[%swap3A, %swap3A_57], %add3A_38 {strides = array<i32>} : memref<1000x128xf32, #tpu.memory_space<vmem>>, vector<1000x128xf32>,
    %get3A_59 = arith.constant 0 : index
    %get3A_60 = arith.constant 0 : index
    %get3A_61 = vector.load %arg12[%get3A_59, %get3A_60] : memref<1000x128xf32, #tpu.memory_space<vmem>>, vector<1000x128xf32>
    %mul3A_62 = arith.mulf %add3A_56, %get3A_61 : vector<1000x128xf32>
    %add3A_63 = arith.addf %add3A_38, %mul3A_62 : vector<1000x128xf32>
    %swap3A_64 = arith.constant 0 : index
    %swap3A_65 = arith.constant 0 : index
    %swap3A_66 = vector.load %arg13[%swap3A_64, %swap3A_65] : memref<1000x128xf32, #tpu.memory_space<vmem>>, vector<1000x128xf32>
    tpu.vector_store %arg13[%swap3A_64, %swap3A_65], %add3A_63 {strides = array<i32>} : memref<1000x128xf32, #tpu.memory_space<vmem>>, vector<1000x128xf32>,
    %log3A = math.log %add3A_56 : vector<1000x128xf32>
    %mul3A_67 = arith.constant 2.000000e+00 : f32
    %mul3A_68 = vector.broadcast %mul3A_67 : f32 to vector<1000x128xf32>
    %mul3A_69 = arith.mulf %mul3A_68, %log3A : vector<1000x128xf32>
    %swap3A_70 = arith.constant 0 : index
    %swap3A_71 = arith.constant 0 : index
    %swap3A_72 = vector.load %arg15[%swap3A_70, %swap3A_71] : memref<1000x128xf32, #tpu.memory_space<vmem>>, vector<1000x128xf32>
    tpu.vector_store %arg15[%swap3A_70, %swap3A_71], %mul3A_69 {strides = array<i32>} : memref<1000x128xf32, #tpu.memory_space<vmem>>, vector<1000x128xf32>,
    return
  }
  func.func @transform_0(%arg0: i32) -> (i32, i32) {
    %c0_i32 = arith.constant 0 : i32
    %c0_i32_0 = arith.constant 0 : i32
    return %arg0, %c0_i32 : i32, i32
  }
  func.func @transform_1(%arg0: i32) -> (i32, i32) {
    %c0_i32 = arith.constant 0 : i32
    %c0_i32_0 = arith.constant 0 : i32
    return %arg0, %c0_i32 : i32, i32
  }
  func.func @transform_2(%arg0: i32) -> (i32, i32) {
    %c0_i32 = arith.constant 0 : i32
    %c0_i32_0 = arith.constant 0 : i32
    return %arg0, %c0_i32 : i32, i32
  }
  func.func @transform_3(%arg0: i32) -> (i32, i32) {
    %c0_i32 = arith.constant 0 : i32
    %c0_i32_0 = arith.constant 0 : i32
    return %arg0, %c0_i32 : i32, i32
  }
  func.func @transform_4(%arg0: i32) -> (i32, i32) {
    %c0_i32 = arith.constant 0 : i32
    %c0_i32_0 = arith.constant 0 : i32
    return %arg0, %c0_i32 : i32, i32
  }
  func.func @transform_5(%arg0: i32) -> (i32, i32) {
    %c0_i32 = arith.constant 0 : i32
    %c0_i32_0 = arith.constant 0 : i32
    %c0_i32_1 = arith.constant 0 : i32
    return %c0_i32, %c0_i32_0 : i32, i32
  }
  func.func @transform_6(%arg0: i32) -> (i32, i32) {
    %c0_i32 = arith.constant 0 : i32
    %c0_i32_0 = arith.constant 0 : i32
    %c0_i32_1 = arith.constant 0 : i32
    return %c0_i32, %c0_i32_0 : i32, i32
  }
  func.func @transform_7(%arg0: i32) -> (i32, i32) {
    %c0_i32 = arith.constant 0 : i32
    %c0_i32_0 = arith.constant 0 : i32
    %c0_i32_1 = arith.constant 0 : i32
    return %c0_i32, %c0_i32_0 : i32, i32
  }
  func.func @transform_8(%arg0: i32) -> (i32, i32) {
    %c0_i32 = arith.constant 0 : i32
    %c0_i32_0 = arith.constant 0 : i32
    %c0_i32_1 = arith.constant 0 : i32
    return %c0_i32, %c0_i32_0 : i32, i32
  }
  func.func @transform_9(%arg0: i32) -> (i32, i32) {
    %c0_i32 = arith.constant 0 : i32
    %c0_i32_0 = arith.constant 0 : i32
    %c0_i32_1 = arith.constant 0 : i32
    return %c0_i32, %c0_i32_0 : i32, i32
  }
  func.func @transform_10(%arg0: i32) -> (i32, i32) {
    %c0_i32 = arith.constant 0 : i32
    %c0_i32_0 = arith.constant 0 : i32
    %c0_i32_1 = arith.constant 0 : i32
    return %c0_i32, %c0_i32_0 : i32, i32
  }
  func.func @transform_11(%arg0: i32) -> (i32, i32) {
    %c0_i32 = arith.constant 0 : i32
    %c0_i32_0 = arith.constant 0 : i32
    return %arg0, %c0_i32 : i32, i32
  }
  func.func @transform_12(%arg0: i32) -> (i32, i32) {
    %c0_i32 = arith.constant 0 : i32
    %c0_i32_0 = arith.constant 0 : i32
    return %arg0, %c0_i32 : i32, i32
  }
  func.func @transform_13(%arg0: i32) -> (i32, i32) {
    %c0_i32 = arith.constant 0 : i32
    %c0_i32_0 = arith.constant 0 : i32
    return %arg0, %c0_i32 : i32, i32
  }
  func.func @transform_14(%arg0: i32) -> (i32, i32) {
    %c0_i32 = arith.constant 0 : i32
    %c0_i32_0 = arith.constant 0 : i32
    return %arg0, %c0_i32 : i32, i32
  }
}

</mosaic_0001>

<sc_bundles>
// kernel: kernel.6.cloned.1.call-start
scs
__scs_entry_jumppad:
0x0: {  	(pc) =	sbr.rel $0x88, $3  }
0x1: {  	(tag) =	ssettag $0x0;
	lr =	simm.s32 $0x1  }
0x2: {  	[smem:$0x3F98] =	sst lr;
	_ =	strace $0xD0000000  }
0x3: {  	_ = 	snop  }
0x4: {  	_ = 	snop  }
0x5: {  	_ = 	snop  }
0x6: {  	_ = 	snop  }
0x7: {  	_ = 	snop  }
__scs_overlays_trampoline_lowered:
0x8: {  	[smem:$0x3FA7] =	sst s0  }
0x9: {  	[smem:$0x3FA8] =	sst s1  }
0xa: {  	[smem:$0x3FA9] =	sst s2  }
0xb: {  	[smem:$0x3FAA] =	sst s3  }
0xc: {  	[smem:$0x3FAB] =	sst s4  }
0xd: {  	[smem:$0x3FAC] =	sst s5  }
0xe: {  	[smem:$0x3FAD] =	sst s6  }
0xf: {  	[smem:$0x3FAE] =	sst s7  }
0x10: {  	[smem:$0x3FAF] =	sst s8  }
0x11: {  	[smem:$0x3FB0] =	sst s9;
	s0 =	simm.s32 @!p0 $0x0  }
0x12: {  	s1 =	sld [smem:$0x3F96];
	s0 =	simm.s32 @p0 $0x1  }
0x13: {  	[smem:$0x3FB1] =	sst s0;
	s0 =	simm.s32 @!p1 $0x0  }
0x14: {  	s2 =	sld [smem:$0x3F95];
	s0 =	simm.s32 @p1 $0x1  }
0x15: {  	[smem:$0x3FB2] =	sst s0;
	s0 =	simm.s32 @!p2 $0x0  }
0x16: {  	s3 =	sld [smem:$0x3FDB];
	s0 =	simm.s32 @p2 $0x1  }
0x17: {  	s4 =	simm.s32 $0x1BF5;
	[smem:$0x3FB4] =	sst s0  }
0x18: {  	s0 =	sld [smem:$0x3F97];
	_ =	swait.ge [sflag:s4], $0x0  }
0x19: {  	s7 =	sld [smem:$0x3F98]  }
0x1a: {  	s8 =	sadd.s32 $0xFFFFE003, lr  }
0x1b: {  	s9 =	sadd.s32 $0xFFFFFEF7, lr;
	s5 =	simm.s32 $0xFFFFFFFF;
	p2 =	slt.u32 s8, $0xFFFFF086  }
0x1c: {  	p1 =	slt.u32 s9, $0xF7A;
	s5 =	simm.s32 @!p2 $0x0  }
0x1d: {  	s5 =	simm.s32 @p1 $0x1;
	p0 =	seq.s32 s7, s2  }
0x1e: {  	s7 =	smul.u32 @!p0 $0xF7A, s2;
	p2 =	seq.s32 @!p0 s5, $0x0  }
0x1f: {  	s9 =	smul.u32 $0xF7A, s1;
	s8 =	simm.s32 @!p0 $0x1BF5;
	p2 =	por !p2, p0  }
0x20: {  	[sflag:s8] =	ssyncset.s32 @!p0 $0xFFFFF086;
	s6 =	sadd.s32 @!p0 s3, s7;
	s7 =	simm.s32 @!p0 $0x108  }
0x21: {  	s3 =	sadd.s32 s3, s9;
	s6 =	sadd.s32 @!p0 $0x88, s6;
	s7 =	simm.s32 @p2 $0x1082  }
0x22: {  	[simem:s7], [sflag:s8] =	dma.local @!p0 [hbm:s6], $0xF7A  }
0x23: {  	s9 =	sor.u32 $0xD0000000, s2;
	s6 =	simm.s32 $0x108;
	_ =	swait.ge @!p0 [sflag:s8], $0x0  }
0x24: {  	s3 =	sadd.s32 $0x88, s3;
	s6 =	simm.s32 @!p1 $0x1082;
	[sflag:s4] =	ssyncset.s32 $0xFFFFF086  }
0x25: {  	[simem:s6], [sflag:s4] =	dma.local [hbm:s3], $0xF7A  }
0x26: {  	[smem:$0x3F98] =	sst s1;
	(tag) =	ssettag s2;
	_ =	strace s9  }
0x27: {  	s1 =	sld [smem:$0x3FA8]  }
0x28: {  	s2 =	sld [smem:$0x3FA9]  }
0x29: {  	s4 =	sld [smem:$0x3FAB]  }
0x2a: {  	p0 =	seq.s32 s5, $0x0;
	s5 =	sld [smem:$0x3FAC]  }
0x2b: {  	s6 =	sld [smem:$0x3FAD]  }
0x2c: {  	s7 =	sld [smem:$0x3FAE]  }
0x2d: {  	s3 =	simm.s32 $0x108;
	s8 =	sld [smem:$0x3FAF]  }
0x2e: {  	s3 =	simm.s32 @!p0 $0x1082;
	s9 =	sld [smem:$0x3FB0]  }
0x2f: {  	lr =	sadd.s32 s0, s3;
	s0 =	sld [smem:$0x3FA7]  }
0x30: {  	s3 =	sld [smem:$0x3FAA]  }
0x31: {  	[smem:$0x3FB3] =	sst s10  }
0x32: {  	s10 =	sld [smem:$0x3FB1];
	_ =	sdelay $0x3  }
0x33: {  	p0 =	seq.s32 s10, $0x1;
	s10 =	sld [smem:$0x3FB3];
	_ =	sdelay $0x3  }
0x34: {  	[smem:$0x3FB3] =	sst s10  }
0x35: {  	s10 =	sld [smem:$0x3FB2];
	_ =	sdelay $0x3  }
0x36: {  	p1 =	seq.s32 s10, $0x1;
	s10 =	sld [smem:$0x3FB3];
	_ =	sdelay $0x3  }
0x37: {  	[smem:$0x3FB3] =	sst s10  }
0x38: {  	s10 =	sld [smem:$0x3FB4]  }
0x39: {  	_ = 	snop;
	(pc) =	sbr.ind lr, $3  }
0x3a: {  	_ = 	snop  }
0x3b: {  	_ = 	snop  }
0x3c: {  	p2 =	seq.s32 s10, $0x1;
	s10 =	sld [smem:$0x3FB3]  }
0x3d: {  	_ =	shalt  }
0x3e: {  	_ =	shalt  }
0x3f: {  	_ =	shalt  }
0x40: {  	_ =	shalt  }
0x41: {  	_ =	shalt  }
0x42: {  	_ =	shalt  }
0x43: {  	_ =	shalt  }
0x44: {  	_ =	shalt  }
0x45: {  	_ =	shalt  }
0x46: {  	_ =	shalt  }
0x47: {  	_ =	shalt  }
0x48: {  	_ =	shalt  }
0x49: {  	_ =	shalt  }
0x4a: {  	_ =	shalt  }
0x4b: {  	_ =	shalt  }
0x4c: {  	_ =	shalt  }
0x4d: {  	_ =	shalt  }
0x4e: {  	_ =	shalt  }
0x4f: {  	_ =	shalt  }
0x50: {  	_ =	shalt  }
0x51: {  	_ =	shalt  }
0x52: {  	_ =	shalt  }
0x53: {  	_ =	shalt  }
0x54: {  	_ =	shalt  }
0x55: {  	_ =	shalt  }
0x56: {  	_ =	shalt  }
0x57: {  	_ =	shalt  }
0x58: {  	_ =	shalt  }
0x59: {  	_ =	shalt  }
0x5a: {  	_ =	shalt  }
0x5b: {  	_ =	shalt  }
0x5c: {  	_ =	shalt  }
0x5d: {  	_ =	shalt  }
0x5e: {  	_ =	shalt  }
0x5f: {  	_ =	shalt  }
0x60: {  	_ =	shalt  }
0x61: {  	_ =	shalt  }
0x62: {  	_ =	shalt  }
0x63: {  	_ =	shalt  }
0x64: {  	_ =	shalt  }
0x65: {  	_ =	shalt  }
0x66: {  	_ =	shalt  }
0x67: {  	_ =	shalt  }
0x68: {  	_ =	shalt  }
0x69: {  	_ =	shalt  }
0x6a: {  	_ =	shalt  }
0x6b: {  	_ =	shalt  }
0x6c: {  	_ =	shalt  }
0x6d: {  	_ =	shalt  }
0x6e: {  	_ =	shalt  }
0x6f: {  	_ =	shalt  }
0x70: {  	_ =	shalt  }
0x71: {  	_ =	shalt  }
0x72: {  	_ =	shalt  }
0x73: {  	_ =	shalt  }
0x74: {  	_ =	shalt  }
0x75: {  	_ =	shalt  }
0x76: {  	_ =	shalt  }
0x77: {  	_ =	shalt  }
0x78: {  	_ =	shalt  }
0x79: {  	_ =	shalt  }
0x7a: {  	_ =	shalt  }
0x7b: {  	_ =	shalt  }
0x7c: {  	_ =	shalt  }
0x7d: {  	_ =	shalt  }
0x7e: {  	_ =	shalt  }
0x7f: {  	_ =	shalt  }
0x80: {  	_ =	shalt  }
0x81: {  	_ =	shalt  }
0x82: {  	_ =	shalt  }
0x83: {  	_ =	shalt  }
0x84: {  	_ =	shalt  }
0x85: {  	_ =	shalt  }
0x86: {  	_ =	shalt  }
0x87: {  	_ =	shalt  }
.Lfunc_end0:
.L_simem_size_0:
called_computation_lowered:
.L_overlay_start_0:
0x88: {  	s2 =	sld [smem:$0x3FD9]  }
0x89: {  	s3 =	sld [smem:$0x3FFE];
	_ =	sdelay $0x1  }
0x8a: {  	s1 =	srdreg.scid  }
0x8b: {  	s0 =	sand.u32 $0x1, s1  }
0x8c: {  	s14 =	sshll.u32 s0, $0xA;
	s2 =	sadd.s32 s3, s2  }
0x8d: {  	s2 =	sadd.s32 s2, s14  }
0x8e: {  	[smem:$0x3FBF] =	sst s2  }
0x8f: {  	_ = 	snop  }
0x90: {  	s2 =	sld [smem:$0x3FD0];
	_ =	sdelay $0x2  }
0x91: {  	s15 =	simm.s32 $0xA;
	s4 =	simm.s32 $0x10  }
0x92: {  	[smem:s4], [sflag:s15] =	dma.local [hbm:s2], $0x1  }
0x93: {  	_ =	swait.eq [sflag:s15], $0x1  }
0x94: {  	[sflag:s15] =	ssyncset.done $0x0  }
0x95: {  	s16 =	sld [smem:$0x10];
	[sflag:s15] =	ssyncadd.s32 $0xFFFFFFFF  }
0x96: {  	s17 =	sld [smem:$0x12];
	(tm) =	ssettm $0x1  }
0x97: {  	s18 =	sld [smem:$0x3FFB];
	_ =	sdelay $0x3  }
0x98: {  	_ =	strace s18  }
0x99: {  	s4 =	sld [smem:$0x3FFC];
	_ =	sdelay $0x3  }
0x9a: {  	_ =	strace s4  }
0x9b: {  	s4 =	sld [smem:$0x3FFD];
	_ =	sdelay $0x3  }
0x9c: {  	_ =	strace s4  }
0x9d: {  	_ =	strace $0x8FFFFFFF  }
0x9e: {  	s19 =	sld [smem:$0x3FDB];
	_ =	sdelay $0x1  }
0x9f: {  	s5 =	simm.s32 $_scs_section_size  }
0xa0: {  	s6 =	simm.s32 $_size__tile_overlayer_lowered;
	s7 =	simm.s32 $_tile_overlayer_lowered  }
0xa1: {  	s22 =	simm.s32 $0x1BFF;
	s21 =	sshll.u32 s7, $0x1;
	s4 =	sadd.s32 s5, s19  }
0xa2: {  	s8 =	simm.s32 $0x0;
	s20 =	sshll.u32 s6, $0x1;
	s6 =	sadd.s32 s21, s4  }
0xa3: {  	[timem:s8], [sflag:s22] =	dma.local [hbm:s6], s20  }
0xa4: {  	_ =	swait.ge [sflag:s22], s20  }
0xa5: {  	s5 =	ssub.s32 $0x0, s20;
	[sflag:s22] =	ssyncset.done $0x0  }
0xa6: {  	[sflag:s22] =	ssyncadd.s32 s5;
	_ =	sdelay $0x1  }
0xa7: {  	s23 =	simm.s32 $0x1B8B  }
0xa8: {  	_ =	swait.ge [sflag:s23], $0x1  }
0xa9: {  	[sflag:s23] =	ssyncset.done $0x0  }
0xaa: {  	s25 =	simm.s32 $0x1B8E;
	s24 =	sld [smem:$0x3FFE];
	[sflag:s23] =	ssyncadd.s32 $0xFFFFFFFF  }
0xab: {  	s26 =	simm.s32 $execute0_lowered;
	[smem:$0x3FD2] =	sst s25  }
0xac: {  	s6 =	sshll.u32 s26, $0x1;
	_ =	strace $0x80000046;
	[dreg:$0x1] =	wrdreg $0xFFFFFFFF  }
0xad: {  	s28 =	simm.s32 $_size_execute0_lowered;
	s4 =	sadd.s32 s4, s6;
	[dreg:$0x0] =	wrdreg $0x0  }
0xae: {  	s6 =	sshll.u32 s28, $0x1;
	[dreg:$0x2] =	wrdreg s4  }
0xaf: {  	[dreg:$0x3] =	wrdreg s6  }
0xb0: {  	[dreg:$0x4] =	wrdreg $0xC0  }
0xb1: {  	_ =	task [dreg:s8], $0x5FFFF  }
0xb2: {  	[dreg:$0x1] =	wrdreg $0xFFFFFFFF  }
0xb3: {  	[dreg:$0x0] =	wrdreg $0x60  }
0xb4: {  	[dreg:$0x2] =	wrdreg s16  }
0xb5: {  	[dreg:$0x3] =	wrdreg s17  }
0xb6: {  	[dreg:$0x4] =	wrdreg s24  }
0xb7: {  	[dreg:$0x5] =	wrdreg $0x41800  }
0xb8: {  	[dreg:$0x6] =	wrdreg $0x9  }
0xb9: {  	_ =	task.clear_ibuf [dreg:s8], $0x7FFFF;
	_ =	strace $0x90000046  }
0xba: {  	s29 =	simm.s32 $0x9;
	_ =	strace $0x80000048  }
0xbb: {  	_ =	swait.ge [sflag:s29], $0x1  }
0xbc: {  	[sflag:s29] =	ssyncadd.s32 $0xFFFFFFFF  }
0xbd: {  	_ =	strace $0x90000048  }
0xbe: {  	_ =	sfence  }
0xbf: {  	s30 =	sld [smem:$0x0];
	_ =	sdelay $0x2  }
0xc0: {  	s31 =	sshll.u32 s1, $0xD;
	s1 =	sshrl.u32 s1, $0x2  }
0xc1: {  	s3 =	sand.u32 $0x4000, s31;
	s1 =	sadd.s32 s1, s30  }
0xc2: {  	s0 =	sor.u32 s3, s0;
	s1 =	sshll.u32 s1, $0x11  }
0xc3: {  	s0 =	sor.u32 s1, s0  }
0xc4: {  	s0 =	sadd.s32 $0x8F2B, s0  }
0xc5: {  	[sflag:s0] =	ssyncadd.remote.s32 $0x1  }
0xc6: {  	_ =	sfence.sel $0xFFFF  }
0xc7: {  	[dreg:$0x0] =	wrdreg $0xFFFFFFFF;
	(pc) =	sbr.abs _section_cstart, $3  }
0xc8: {  	[dreg:$0x1] =	wrdreg $0xFFFFFFFF  }
0xc9: {  	_ =	task.clear_ibuf [dreg:s8], $0x2FFFF;
	_ =	strace $0x9FFFFFFF  }
0xca: {  	(tm) =	ssettm $0x7FFFFFFF  }
0xcb: {  	_ =	shalt  }
tec
execute0_lowered:
.L_overlay_start_1:
0x0: {  	(tag) =	ssettag $0x1  }
0x1: {  	s10 =	rddreg [dreg:$0x0]  }
0x2: {  	s1 =	rddreg [dreg:$0x1]  }
0x3: {  	s6 =	rddreg [dreg:$0x2]  }
0x4: {  	s3 =	rddreg [dreg:$0x3]  }
0x5: {  	s0 =	rddreg [dreg:$0x4]  }
0x6: {  	s5 =	srdreg.scid;
	s2 =	stileid.u32;
	s4 =	simm.s32 $0x0  }
0x7: {  	s19 =	simm.s32 $0x80;
	s20 =	simm.s32 $0x1;
	s21 =	simm.s32 $0x100  }
0x8: {  	s22 =	simm.s32 $0x10;
	s23 =	simm.s32 $0x0;
	s26 =	smul.u32 $0x2800, s2  }
0x9: {  	s7 =	sand.u32 $0x1, s5;
	[smem:$0x7FF] =	sst s4;
	s11 =	smul.u32 $0x50000, s2  }
0xa: {  	s5 =	sadd.s32 $0x1E00, s6;
	s30 =	smul.u32 $0x2710, s2;
	s13 =	sshll.u32 s2, $0x6  }
0xb: {  	s8 =	smul.u32 $0x28000, s7;
	_ =	strace $0x80000047;
	s9 =	sshll.u32 s7, $0x4  }
0xc: {  	s29 =	ssub.s32 $0x2, s7;
	s7 =	smul.u32 $0x27100, s7;
	s13 =	sor.u32 $0x1C02, s13  }
0xd: {  	s9 =	sor.u32 s2, s9;
	s11 =	sshrl.u32 s11, $0x2;
	s12 =	sshrl.u32 s29, $0x1  }
0xe: {  	s8 =	sadd.s32 s26, s8;
	s28 =	smul.u32 $0x2710, s9;
	s14 =	sadd.s32 s11, s3  }
0xf: {  	s9 =	ssub.s32 s29, s12;
	s11 =	sadd.s32 s30, s7;
	s8 =	sadd.s32 s8, s6  }
0x10: {  	s15 =	sadd.s32 $0x4000, s14;
	s16 =	sadd.s32 $0x8000, s14;
	s17 =	sadd.s32 $0xC000, s14  }
0x11: {  	s18 =	sadd.s32 $0x10000, s14;
	s31 =	sadd.s32 $0x80, s11;
	s11 =	sshrl.u32 s11, $0x3  }
0x12: {  	s14 =	sshrl.u32 s14, $0x3;
	s6 =	sshrl.u32 s28, $0x3;
	s7 =	sadd.s32 $0x2600, s8  }
0x13: {  	s12 =	sshrl.u32 s31, $0x3;
	s8 =	smax.u32 s9, $0x1;
	s15 =	sshrl.u32 s15, $0x3  }
0x14: {  	s16 =	sshrl.u32 s16, $0x3;
	s17 =	sshrl.u32 s17, $0x3;
	s18 =	sshrl.u32 s18, $0x3  }
0x15: {  	s6 =	sadd.s32 s10, s6;
	s9 =	sadd.s32 s12, s10;
	s10 =	sadd.s32 s11, s10  }
0x16: {  	s11 =	simm.s32 $0x180;
	s12 =	simm.s32 $0x2;
	s6 =	sadd.s32 $0x4E0, s6  }
.LBB2_1:
0x17: {  	[tilespmem:s11], [sflag:$0x2] =	stream.linear.gather [hbm4b:s1+s4], $0x4000, $0x38;
	[tilespmem:$0x18180] =	vst v63  }
0x18: {  	_ =	swait.ge [sflag:s12], $0x4000  }
0x19: {  	[sflag:s12] =	ssyncset.done $0x0  }
0x1a: {  	[sflag:s12] =	ssyncadd.s32 $0xFFFFC000  }
0x1b: {  	[spmem:s14], [sflag:s13] =	dma.local [hbm:s5], $0x800  }
0x1c: {  	_ =	swait.ge [sflag:s12], $0x800  }
0x1d: {  	[sflag:s12] =	ssyncset.done $0x0  }
0x1e: {  	[sflag:s12] =	ssyncadd.s32 $0xFFFFF800  }
0x1f: {  	[spmem:s15], [sflag:s13] =	dma.local [hbm:s5], $0x800  }
0x20: {  	_ =	swait.ge [sflag:s12], $0x800  }
0x21: {  	[sflag:s12] =	ssyncset.done $0x0  }
0x22: {  	[sflag:s12] =	ssyncadd.s32 $0xFFFFF800  }
0x23: {  	[spmem:s16], [sflag:s13] =	dma.local [hbm:s5], $0x800  }
0x24: {  	_ =	swait.ge [sflag:s12], $0x800  }
0x25: {  	[sflag:s12] =	ssyncset.done $0x0  }
0x26: {  	[sflag:s12] =	ssyncadd.s32 $0xFFFFF800  }
0x27: {  	[spmem:s17], [sflag:s13] =	dma.local [hbm:s5], $0x800  }
0x28: {  	_ =	swait.ge [sflag:s12], $0x800  }
0x29: {  	[sflag:s12] =	ssyncset.done $0x0  }
0x2a: {  	[sflag:s12] =	ssyncadd.s32 $0xFFFFF800  }
0x2b: {  	[spmem:s18], [sflag:s13] =	dma.local [hbm:s5], $0x800  }
0x2c: {  	_ =	swait.ge [sflag:s12], $0x800  }
0x2d: {  	[sflag:s12] =	ssyncset.done $0x0  }
0x2e: {  	[sflag:s12] =	ssyncadd.s32 $0xFFFFF800  }
0x2f: {  	s24 =	sadd.s32 $0x0, s10;
	[bflag:$0x0] =	sbarrier.arrive $0xFFFF  }
0x30: {  	[tilespmem:s4], [sflag:$0x2] =	stream.linear.gather [hbm4b:s24+s4], $0x80, $0x38;
	[tilespmem:$0x18180] =	vst v63  }
0x31: {  	_ =	swait.ge [sflag:s12], $0x80  }
0x32: {  	[sflag:s12] =	ssyncset.done $0x0  }
0x33: {  	[sflag:s12] =	ssyncadd.s32 $0xFFFFFF80  }
0x34: {  	[spmem:s3] =	stream.indirect.scatter.add.f32 [tilespmem:s11], [sflag:$0x1], $0x80, s4, s19, $0xb8;
	[tilespmem:$0x18180] =	vst v63  }
0x35: {  	s31 =	sadd.s32 $0x0, s9  }
0x36: {  	[tilespmem:s19], [sflag:$0x2] =	stream.linear.gather [hbm4b:s31+s4], $0x80, $0x38;
	[tilespmem:$0x18180] =	vst v63  }
0x37: {  	_ =	swait.ge [sflag:s12], $0x80  }
0x38: {  	[sflag:s12] =	ssyncset.done $0x0  }
0x39: {  	[sflag:s12] =	ssyncadd.s32 $0xFFFFFF80  }
0x3a: {  	[spmem:s3] =	stream.indirect.scatter.add.f32 [tilespmem:s11], [sflag:$0x1], $0x80, s19, s19, $0xb8;
	[tilespmem:$0x18180] =	vst v63  }
0x3b: {  	_ =	swait.ge [sflag:s20], $0x4000  }
0x3c: {  	[sflag:s20] =	ssyncset.done $0x0  }
0x3d: {  	[sflag:s20] =	ssyncadd.s32 $0xFFFFC000  }
0x3e: {  	_ =	swait.ge [sflag:s20], $0x4000  }
0x3f: {  	s25 =	simm.s32 $0x40;
	s24 =	simm.s32 $0x20;
	[sflag:s20] =	ssyncset.done $0x0  }
.LBB2_2:
0x40: {  	s26 =	sadd.s32 s24, s10  }
0x41: {  	[sflag:s20] =	ssyncadd.s32 $0xFFFFC000;
	s28 =	smov.u32 s25;
	s29 =	sadd.s32 $0x20, s25  }
0x42: {  	[tilespmem:s4], [sflag:$0x2] =	stream.linear.gather [hbm4b:s26+s4], $0x80, $0x38;
	[tilespmem:$0x18180] =	vst v63  }
0x43: {  	p0 =	sne.s32 s25, $0x4C0;
	_ =	swait.ge [sflag:s12], $0x80  }
0x44: {  	[sflag:s12] =	ssyncset.done $0x0  }
0x45: {  	[sflag:s12] =	ssyncadd.s32 $0xFFFFFF80  }
0x46: {  	[spmem:s3] =	stream.indirect.scatter.add.f32 [tilespmem:s11], [sflag:$0x1], $0x80, s4, s19, $0xb8;
	[tilespmem:$0x18180] =	vst v63  }
0x47: {  	s25 =	sadd.s32 s24, s9;
	s24 =	smov.u32 s28  }
0x48: {  	[tilespmem:s19], [sflag:$0x2] =	stream.linear.gather [hbm4b:s25+s4], $0x80, $0x38;
	[tilespmem:$0x18180] =	vst v63  }
0x49: {  	_ =	swait.ge [sflag:s12], $0x80  }
0x4a: {  	[sflag:s12] =	ssyncset.done $0x0  }
0x4b: {  	[sflag:s12] =	ssyncadd.s32 $0xFFFFFF80  }
0x4c: {  	[spmem:s3] =	stream.indirect.scatter.add.f32 [tilespmem:s11], [sflag:$0x1], $0x80, s19, s19, $0xb8;
	[tilespmem:$0x18180] =	vst v63  }
.Ltmp0:
0x4d: {  	_ =	swait.ge [sflag:s20], $0x4000;
	(pc) =	sbr.rel @p0 .LBB2_2-.Ltmp0, $4  }
0x4e: {  	[sflag:s20] =	ssyncset.done $0x0  }
0x4f: {  	[sflag:s20] =	ssyncadd.s32 $0xFFFFC000  }
0x50: {  	_ =	swait.ge [sflag:s20], $0x4000  }
0x51: {  	s25 =	smov.u32 s29;
	[sflag:s20] =	ssyncset.done $0x0  }
0x52: {  	s25 =	sadd.s32 s24, s10;
	[sflag:s20] =	ssyncadd.s32 $0xFFFFC000  }
0x53: {  	[tilespmem:s4], [sflag:$0x2] =	stream.linear.gather [hbm4b:s25+s4], $0x80, $0x38;
	[tilespmem:$0x18180] =	vst v63  }
0x54: {  	_ =	swait.ge [sflag:s12], $0x80  }
0x55: {  	[sflag:s12] =	ssyncset.done $0x0  }
0x56: {  	[sflag:s12] =	ssyncadd.s32 $0xFFFFFF80  }
0x57: {  	[spmem:s3] =	stream.indirect.scatter.add.f32 [tilespmem:s11], [sflag:$0x1], $0x80, s4, s19, $0xb8;
	[tilespmem:$0x18180] =	vst v63  }
0x58: {  	s31 =	sadd.s32 s24, s9  }
0x59: {  	[tilespmem:s19], [sflag:$0x2] =	stream.linear.gather [hbm4b:s31+s4], $0x80, $0x38;
	[tilespmem:$0x18180] =	vst v63  }
0x5a: {  	_ =	swait.ge [sflag:s12], $0x80  }
0x5b: {  	[sflag:s12] =	ssyncset.done $0x0  }
0x5c: {  	[sflag:s12] =	ssyncadd.s32 $0xFFFFFF80  }
0x5d: {  	[spmem:s3] =	stream.indirect.scatter.add.f32 [tilespmem:s11], [sflag:$0x1], $0x80, s19, s19, $0xb8;
	[tilespmem:$0x18180] =	vst v63  }
0x5e: {  	_ =	swait.ge [sflag:s20], $0x4000  }
0x5f: {  	[sflag:s20] =	ssyncset.done $0x0  }
0x60: {  	[sflag:s20] =	ssyncadd.s32 $0xFFFFC000  }
0x61: {  	_ =	swait.ge [sflag:s20], $0x4000  }
0x62: {  	[sflag:s20] =	ssyncset.done $0x0  }
0x63: {  	[sflag:s20] =	ssyncadd.s32 $0xFFFFC000  }
0x64: {  	[tilespmem:s21], [sflag:$0x2] =	stream.linear.gather [hbm4b:s6+s4], $0x10, $0x38;
	[tilespmem:$0x18180] =	vst v63  }
0x65: {  	_ =	swait.ge [sflag:s12], $0x10  }
0x66: {  	[sflag:s12] =	ssyncset.done $0x0  }
0x67: {  	[sflag:s12] =	ssyncadd.s32 $0xFFFFFFF0  }
0x68: {  	[spmem:s3] =	stream.indirect.scatter.add.f32 [tilespmem:s11], [sflag:$0x2], $0x80, s21, s22, $0xb8;
	[tilespmem:$0x18180] =	vst v63  }
0x69: {  	_ =	swait.ge [sflag:s12], $0x800  }
0x6a: {  	s23 =	sadd.s32 $0x1, s23;
	[sflag:s12] =	ssyncset.done $0x0  }
0x6b: {  	p0 =	sne.s32 s23, s8;
	[sflag:s12] =	ssyncadd.s32 $0xFFFFF800  }
.Ltmp1:
0x6c: {  	[bflag:$0x0] =	sbarrier.arrive $0xFFFF;
	(pc) =	sbr.rel @p0 .LBB2_1-.Ltmp1, $4  }
0x6d: {  	[hbm:s7], [sflag:s13] =	dma.local [spmem:s14], $0x2800  }
0x6e: {  	_ =	swait.ge [sflag:s12], $0x2800  }
0x6f: {  	[sflag:s12] =	ssyncset.done $0x0  }
0x70: {  	[sflag:s12] =	ssyncadd.s32 $0xFFFFD800  }
0x71: {  	_ =	sfence.sel $0x180000  }
0x72: {  	[bflag:$0x0] =	sbarrier.arrive $0xFFFF  }
0x73: {  	p0 =	sne.s32 s2, $0x0;
	_ =	strace $0x90000047  }
0x74: {  	s0 =	sadd.s32 @!p0 $0x100000, s0;
	[bflag:$0x2] =	sbarrier.arrive $0xFFFF  }
0x75: {  	[sflag:s0] =	ssyncadd.tile.s32 @!p0 $0x1;
	_ =	shalt  }
.Lfunc_end2:
_tile_overlayer_lowered:
.L_overlay_start_2:
0x76: {  	(tag) =	ssettag $0x2  }
0x77: {  	s0 =	rddreg [dreg:$0x0];
	s2 =	stileid.u32  }
0x78: {  	s1 =	rddreg [dreg:$0x1];
	p0 =	sne.s32 s2, $0x0  }
0x79: {  	s3 =	rddreg [dreg:$0x2];
	[bflag:$0x3] =	sbarrier.arrive $0xFFFF;
	s2 =	simm.s32 @!p0 $0x1C02  }
0x7a: {  	[timem:s3], [sflag:s2] =	dma.local @!p0 [hbm:s0], s1  }
0x7b: {  	s0 =	simm.s32 @!p0 $0x2  }
0x7c: {  	_ =	swait.ge @!p0 [sflag:s0], s1  }
0x7d: {  	s1 =	ssub.s32 @!p0 $0x0, s1;
	[sflag:s0] =	ssyncset.done @!p0 $0x0  }
0x7e: {  	[sflag:s0] =	ssyncadd.s32 @!p0 s1  }
0x7f: {  	[bflag:$0x3] =	sbarrier.arrive $0xFFFF  }
0x80: {  	_ =	shalt  }

// kernel: kernel.9.cloned.1.call-start
scs
__scs_entry_jumppad:
0x0: {  	(pc) =	sbr.rel $0x88, $3  }
0x1: {  	(tag) =	ssettag $0x0;
	lr =	simm.s32 $0x1  }
0x2: {  	[smem:$0x3F98] =	sst lr;
	_ =	strace $0xD0000000  }
0x3: {  	_ = 	snop  }
0x4: {  	_ = 	snop  }
0x5: {  	_ = 	snop  }
0x6: {  	_ = 	snop  }
0x7: {  	_ = 	snop  }
__scs_overlays_trampoline_lowered:
0x8: {  	[smem:$0x3FA7] =	sst s0  }
0x9: {  	[smem:$0x3FA8] =	sst s1  }
0xa: {  	[smem:$0x3FA9] =	sst s2  }
0xb: {  	[smem:$0x3FAA] =	sst s3  }
0xc: {  	[smem:$0x3FAB] =	sst s4  }
0xd: {  	[smem:$0x3FAC] =	sst s5  }
0xe: {  	[smem:$0x3FAD] =	sst s6  }
0xf: {  	[smem:$0x3FAE] =	sst s7  }
0x10: {  	[smem:$0x3FAF] =	sst s8  }
0x11: {  	[smem:$0x3FB0] =	sst s9;
	s0 =	simm.s32 @!p0 $0x0  }
0x12: {  	s1 =	sld [smem:$0x3F96];
	s0 =	simm.s32 @p0 $0x1  }
0x13: {  	[smem:$0x3FB1] =	sst s0;
	s0 =	simm.s32 @!p1 $0x0  }
0x14: {  	s2 =	sld [smem:$0x3F95];
	s0 =	simm.s32 @p1 $0x1  }
0x15: {  	[smem:$0x3FB2] =	sst s0;
	s0 =	simm.s32 @!p2 $0x0  }
0x16: {  	s3 =	sld [smem:$0x3FDB];
	s0 =	simm.s32 @p2 $0x1  }
0x17: {  	s4 =	simm.s32 $0x1BF5;
	[smem:$0x3FB4] =	sst s0  }
0x18: {  	s0 =	sld [smem:$0x3F97];
	_ =	swait.ge [sflag:s4], $0x0  }
0x19: {  	s7 =	sld [smem:$0x3F98]  }
0x1a: {  	s8 =	sadd.s32 $0xFFFFE003, lr  }
0x1b: {  	s9 =	sadd.s32 $0xFFFFFEF7, lr;
	s5 =	simm.s32 $0xFFFFFFFF;
	p2 =	slt.u32 s8, $0xFFFFF086  }
0x1c: {  	p1 =	slt.u32 s9, $0xF7A;
	s5 =	simm.s32 @!p2 $0x0  }
0x1d: {  	s5 =	simm.s32 @p1 $0x1;
	p0 =	seq.s32 s7, s2  }
0x1e: {  	s7 =	smul.u32 @!p0 $0xF7A, s2;
	p2 =	seq.s32 @!p0 s5, $0x0  }
0x1f: {  	s9 =	smul.u32 $0xF7A, s1;
	s8 =	simm.s32 @!p0 $0x1BF5;
	p2 =	por !p2, p0  }
0x20: {  	[sflag:s8] =	ssyncset.s32 @!p0 $0xFFFFF086;
	s6 =	sadd.s32 @!p0 s3, s7;
	s7 =	simm.s32 @!p0 $0x108  }
0x21: {  	s3 =	sadd.s32 s3, s9;
	s6 =	sadd.s32 @!p0 $0x88, s6;
	s7 =	simm.s32 @p2 $0x1082  }
0x22: {  	[simem:s7], [sflag:s8] =	dma.local @!p0 [hbm:s6], $0xF7A  }
0x23: {  	s9 =	sor.u32 $0xD0000000, s2;
	s6 =	simm.s32 $0x108;
	_ =	swait.ge @!p0 [sflag:s8], $0x0  }
0x24: {  	s3 =	sadd.s32 $0x88, s3;
	s6 =	simm.s32 @!p1 $0x1082;
	[sflag:s4] =	ssyncset.s32 $0xFFFFF086  }
0x25: {  	[simem:s6], [sflag:s4] =	dma.local [hbm:s3], $0xF7A  }
0x26: {  	[smem:$0x3F98] =	sst s1;
	(tag) =	ssettag s2;
	_ =	strace s9  }
0x27: {  	s1 =	sld [smem:$0x3FA8]  }
0x28: {  	s2 =	sld [smem:$0x3FA9]  }
0x29: {  	s4 =	sld [smem:$0x3FAB]  }
0x2a: {  	p0 =	seq.s32 s5, $0x0;
	s5 =	sld [smem:$0x3FAC]  }
0x2b: {  	s6 =	sld [smem:$0x3FAD]  }
0x2c: {  	s7 =	sld [smem:$0x3FAE]  }
0x2d: {  	s3 =	simm.s32 $0x108;
	s8 =	sld [smem:$0x3FAF]  }
0x2e: {  	s3 =	simm.s32 @!p0 $0x1082;
	s9 =	sld [smem:$0x3FB0]  }
0x2f: {  	lr =	sadd.s32 s0, s3;
	s0 =	sld [smem:$0x3FA7]  }
0x30: {  	s3 =	sld [smem:$0x3FAA]  }
0x31: {  	[smem:$0x3FB3] =	sst s10  }
0x32: {  	s10 =	sld [smem:$0x3FB1];
	_ =	sdelay $0x3  }
0x33: {  	p0 =	seq.s32 s10, $0x1;
	s10 =	sld [smem:$0x3FB3];
	_ =	sdelay $0x3  }
0x34: {  	[smem:$0x3FB3] =	sst s10  }
0x35: {  	s10 =	sld [smem:$0x3FB2];
	_ =	sdelay $0x3  }
0x36: {  	p1 =	seq.s32 s10, $0x1;
	s10 =	sld [smem:$0x3FB3];
	_ =	sdelay $0x3  }
0x37: {  	[smem:$0x3FB3] =	sst s10  }
0x38: {  	s10 =	sld [smem:$0x3FB4]  }
0x39: {  	_ = 	snop;
	(pc) =	sbr.ind lr, $3  }
0x3a: {  	_ = 	snop  }
0x3b: {  	_ = 	snop  }
0x3c: {  	p2 =	seq.s32 s10, $0x1;
	s10 =	sld [smem:$0x3FB3]  }
0x3d: {  	_ =	shalt  }
0x3e: {  	_ =	shalt  }
0x3f: {  	_ =	shalt  }
0x40: {  	_ =	shalt  }
0x41: {  	_ =	shalt  }
0x42: {  	_ =	shalt  }
0x43: {  	_ =	shalt  }
0x44: {  	_ =	shalt  }
0x45: {  	_ =	shalt  }
0x46: {  	_ =	shalt  }
0x47: {  	_ =	shalt  }
0x48: {  	_ =	shalt  }
0x49: {  	_ =	shalt  }
0x4a: {  	_ =	shalt  }
0x4b: {  	_ =	shalt  }
0x4c: {  	_ =	shalt  }
0x4d: {  	_ =	shalt  }
0x4e: {  	_ =	shalt  }
0x4f: {  	_ =	shalt  }
0x50: {  	_ =	shalt  }
0x51: {  	_ =	shalt  }
0x52: {  	_ =	shalt  }
0x53: {  	_ =	shalt  }
0x54: {  	_ =	shalt  }
0x55: {  	_ =	shalt  }
0x56: {  	_ =	shalt  }
0x57: {  	_ =	shalt  }
0x58: {  	_ =	shalt  }
0x59: {  	_ =	shalt  }
0x5a: {  	_ =	shalt  }
0x5b: {  	_ =	shalt  }
0x5c: {  	_ =	shalt  }
0x5d: {  	_ =	shalt  }
0x5e: {  	_ =	shalt  }
0x5f: {  	_ =	shalt  }
0x60: {  	_ =	shalt  }
0x61: {  	_ =	shalt  }
0x62: {  	_ =	shalt  }
0x63: {  	_ =	shalt  }
0x64: {  	_ =	shalt  }
0x65: {  	_ =	shalt  }
0x66: {  	_ =	shalt  }
0x67: {  	_ =	shalt  }
0x68: {  	_ =	shalt  }
0x69: {  	_ =	shalt  }
0x6a: {  	_ =	shalt  }
0x6b: {  	_ =	shalt  }
0x6c: {  	_ =	shalt  }
0x6d: {  	_ =	shalt  }
0x6e: {  	_ =	shalt  }
0x6f: {  	_ =	shalt  }
0x70: {  	_ =	shalt  }
0x71: {  	_ =	shalt  }
0x72: {  	_ =	shalt  }
0x73: {  	_ =	shalt  }
0x74: {  	_ =	shalt  }
0x75: {  	_ =	shalt  }
0x76: {  	_ =	shalt  }
0x77: {  	_ =	shalt  }
0x78: {  	_ =	shalt  }
0x79: {  	_ =	shalt  }
0x7a: {  	_ =	shalt  }
0x7b: {  	_ =	shalt  }
0x7c: {  	_ =	shalt  }
0x7d: {  	_ =	shalt  }
0x7e: {  	_ =	shalt  }
0x7f: {  	_ =	shalt  }
0x80: {  	_ =	shalt  }
0x81: {  	_ =	shalt  }
0x82: {  	_ =	shalt  }
0x83: {  	_ =	shalt  }
0x84: {  	_ =	shalt  }
0x85: {  	_ =	shalt  }
0x86: {  	_ =	shalt  }
0x87: {  	_ =	shalt  }
.Lfunc_end0:
.L_simem_size_0:
called_computation.1_lowered:
.L_overlay_start_0:
0x88: {  	s2 =	sld [smem:$0x3FD9]  }
0x89: {  	s3 =	sld [smem:$0x3FFE];
	_ =	sdelay $0x1  }
0x8a: {  	s1 =	srdreg.scid  }
0x8b: {  	s0 =	sand.u32 $0x1, s1  }
0x8c: {  	s14 =	sshll.u32 s0, $0xA;
	s2 =	sadd.s32 s3, s2  }
0x8d: {  	s2 =	sadd.s32 s2, s14  }
0x8e: {  	[smem:$0x3FBF] =	sst s2  }
0x8f: {  	_ = 	snop  }
0x90: {  	s2 =	sld [smem:$0x3FD0];
	_ =	sdelay $0x2  }
0x91: {  	s15 =	simm.s32 $0xA;
	s4 =	simm.s32 $0x10  }
0x92: {  	[smem:s4], [sflag:s15] =	dma.local [hbm:s2], $0x1  }
0x93: {  	_ =	swait.eq [sflag:s15], $0x1  }
0x94: {  	s16 =	sld [smem:$0x10];
	[sflag:s15] =	ssyncset.done $0x0  }
0x95: {  	s17 =	sld [smem:$0x11];
	[sflag:s15] =	ssyncadd.s32 $0xFFFFFFFF  }
0x96: {  	s18 =	sld [smem:$0x12];
	(tm) =	ssettm $0x1  }
0x97: {  	s5 =	sld [smem:$0x3FFB];
	_ =	sdelay $0x3  }
0x98: {  	_ =	strace s5  }
0x99: {  	s5 =	sld [smem:$0x3FFC];
	_ =	sdelay $0x3  }
0x9a: {  	_ =	strace s5  }
0x9b: {  	s5 =	sld [smem:$0x3FFD];
	_ =	sdelay $0x3  }
0x9c: {  	_ =	strace s5  }
0x9d: {  	_ =	strace $0x8FFFFFFF  }
0x9e: {  	s19 =	sld [smem:$0x3FDB];
	_ =	sdelay $0x1  }
0x9f: {  	s6 =	simm.s32 $_scs_section_size  }
0xa0: {  	s7 =	simm.s32 $_size__tile_overlayer_lowered;
	s8 =	simm.s32 $_tile_overlayer_lowered  }
0xa1: {  	s22 =	simm.s32 $0x1BFF;
	s21 =	sshll.u32 s8, $0x1;
	s5 =	sadd.s32 s6, s19  }
0xa2: {  	s9 =	simm.s32 $0x0;
	s20 =	sshll.u32 s7, $0x1;
	s7 =	sadd.s32 s21, s5  }
0xa3: {  	[timem:s9], [sflag:s22] =	dma.local [hbm:s7], s20  }
0xa4: {  	_ =	swait.ge [sflag:s22], s20  }
0xa5: {  	s6 =	ssub.s32 $0x0, s20;
	[sflag:s22] =	ssyncset.done $0x0  }
0xa6: {  	[sflag:s22] =	ssyncadd.s32 s6;
	_ =	sdelay $0x1  }
0xa7: {  	s23 =	simm.s32 $0x1B8B  }
0xa8: {  	_ =	swait.ge [sflag:s23], $0x1  }
0xa9: {  	[sflag:s23] =	ssyncset.done $0x0  }
0xaa: {  	s25 =	simm.s32 $0x1B8E;
	s24 =	sld [smem:$0x3FFE];
	[sflag:s23] =	ssyncadd.s32 $0xFFFFFFFF  }
0xab: {  	s26 =	simm.s32 $execute0_lowered;
	[smem:$0x3FD2] =	sst s25  }
0xac: {  	s7 =	sshll.u32 s26, $0x1;
	_ =	strace $0x80000049;
	[dreg:$0x1] =	wrdreg $0xFFFFFFFF  }
0xad: {  	s28 =	simm.s32 $_size_execute0_lowered;
	s5 =	sadd.s32 s5, s7;
	[dreg:$0x0] =	wrdreg $0x0  }
0xae: {  	s7 =	sshll.u32 s28, $0x1;
	[dreg:$0x2] =	wrdreg s5  }
0xaf: {  	[dreg:$0x3] =	wrdreg s7  }
0xb0: {  	[dreg:$0x4] =	wrdreg $0xC0  }
0xb1: {  	_ =	task [dreg:s9], $0x5FFFF  }
0xb2: {  	[dreg:$0x1] =	wrdreg $0xFFFFFFFF  }
0xb3: {  	[dreg:$0x0] =	wrdreg $0x60  }
0xb4: {  	[dreg:$0x2] =	wrdreg s18  }
0xb5: {  	[dreg:$0x3] =	wrdreg s17  }
0xb6: {  	[dreg:$0x4] =	wrdreg s16  }
0xb7: {  	[dreg:$0x5] =	wrdreg s24  }
0xb8: {  	[dreg:$0x6] =	wrdreg $0xA9000  }
0xb9: {  	[dreg:$0x7] =	wrdreg $0x9  }
0xba: {  	_ =	task.clear_ibuf [dreg:s9], $0x8FFFF;
	_ =	strace $0x90000049  }
0xbb: {  	s29 =	simm.s32 $0x9;
	_ =	strace $0x8000004B  }
0xbc: {  	_ =	swait.ge [sflag:s29], $0x1  }
0xbd: {  	[sflag:s29] =	ssyncadd.s32 $0xFFFFFFFF  }
0xbe: {  	_ =	strace $0x9000004B  }
0xbf: {  	_ =	sfence  }
0xc0: {  	s30 =	sld [smem:$0x0];
	_ =	sdelay $0x2  }
0xc1: {  	s31 =	sshll.u32 s1, $0xD;
	s1 =	sshrl.u32 s1, $0x2  }
0xc2: {  	s3 =	sand.u32 $0x4000, s31;
	s1 =	sadd.s32 s1, s30  }
0xc3: {  	s0 =	sor.u32 s3, s0;
	s1 =	sshll.u32 s1, $0x11  }
0xc4: {  	s0 =	sor.u32 s1, s0  }
0xc5: {  	s0 =	sadd.s32 $0x8F2B, s0  }
0xc6: {  	[sflag:s0] =	ssyncadd.remote.s32 $0x1  }
0xc7: {  	_ =	sfence.sel $0xFFFF  }
0xc8: {  	[dreg:$0x0] =	wrdreg $0xFFFFFFFF;
	(pc) =	sbr.abs _section_cstart, $3  }
0xc9: {  	[dreg:$0x1] =	wrdreg $0xFFFFFFFF  }
0xca: {  	_ =	task.clear_ibuf [dreg:s9], $0x2FFFF;
	_ =	strace $0x9FFFFFFF  }
0xcb: {  	(tm) =	ssettm $0x7FFFFFFF  }
tec
execute0_lowered:
.L_overlay_start_1:
0x0: {  	(tag) =	ssettag $0x1  }
0x1: {  	s1 =	rddreg [dreg:$0x0]  }
0x2: {  	s0 =	rddreg [dreg:$0x1]  }
0x3: {  	s2 =	rddreg [dreg:$0x2]  }
0x4: {  	s6 =	rddreg [dreg:$0x3]  }
0x5: {  	s3 =	rddreg [dreg:$0x4];
	s14 =	stileid.u32  }
0x6: {  	s4 =	srdreg.scid;
	s28 =	simm.s32 $0x2;
	s5 =	smul.u32 $0x2800, s14  }
0x7: {  	s29 =	simm.s32 $0x2880;
	s30 =	simm.s32 $0x10;
	s11 =	smul.u32 $0x50000, s14  }
0x8: {  	s7 =	sand.u32 $0x1, s4;
	s4 =	simm.s32 $0x0;
	s22 =	smul.u32 $0x2710, s14  }
0x9: {  	s31 =	sshll.u32 s14, $0x6;
	s8 =	sshll.u32 s7, $0x4;
	s9 =	smul.u32 $0x28000, s7  }
0xa: {  	[smem:$0x7FF] =	sst s4;
	s10 =	ssub.s32 $0x2, s7;
	s21 =	smul.u32 $0x27100, s7  }
0xb: {  	s8 =	sor.u32 s14, s8;
	_ =	strace $0x8000004A;
	s13 =	sshrl.u32 s10, $0x1  }
0xc: {  	s15 =	sshrl.u32 s11, $0x2;
	s14 =	simm.s32 $0x3;
	s8 =	smul.u32 $0x2710, s8  }
0xd: {  	s9 =	sadd.s32 s5, s9;
	s5 =	sadd.s32 $0x1E00, s6;
	s12 =	ssub.s32 s10, s13  }
0xe: {  	s16 =	sadd.s32 s15, s3;
	s13 =	sadd.s32 s22, s21;
	s15 =	sor.u32 $0x1C03, s31  }
0xf: {  	s21 =	simm.s32 $0x80;
	s22 =	simm.s32 $0x2900;
	s6 =	sadd.s32 s9, s6  }
0x10: {  	s17 =	sadd.s32 $0x4000, s16;
	s18 =	sadd.s32 $0x8000, s16;
	s19 =	sadd.s32 $0xC000, s16  }
0x11: {  	s20 =	sadd.s32 $0x10000, s16;
	s26 =	sadd.s32 $0x80, s13;
	s11 =	smax.u32 s12, $0x1  }
0x12: {  	s13 =	sshrl.u32 s13, $0x3;
	s16 =	sshrl.u32 s16, $0x3;
	s8 =	sshrl.u32 s8, $0x3  }
0x13: {  	s10 =	sadd.s32 $0x29800, s6;
	s6 =	sshrl.u32 s26, $0x3;
	s13 =	sadd.s32 s13, s2  }
0x14: {  	s17 =	sshrl.u32 s17, $0x3;
	s18 =	sshrl.u32 s18, $0x3;
	s19 =	sshrl.u32 s19, $0x3  }
0x15: {  	s20 =	sshrl.u32 s20, $0x3;
	s26 =	simm.s32 $0x2800;
	s0 =	sadd.s32 s0, s8  }
0x16: {  	s23 =	sadd.s32 s2, s8;
	s12 =	sadd.s32 s6, s2;
	[dreg:$0x6] =	wrdreg s0  }
0x17: {  	s24 =	sadd.s32 $0x4C0, s23;
	s25 =	sadd.s32 $0x4D0, s23;
	s9 =	sadd.s32 $0x4E0, s23  }
0x18: {  	s23 =	simm.s32 $0x6900;
	s0 =	simm.s32 $0x0;
	[dreg:$0x7] =	wrdreg s24  }
0x19: {  	[dreg:$0x8] =	wrdreg s25;
	s24 =	simm.s32 $0x2780;
	s25 =	simm.s32 $0x1  }
.LBB2_1:
0x1a: {  	s2 =	rddreg [dreg:$0x6]  }
0x1b: {  	[tilespmem:s4], [sflag:$0x3] =	stream.linear.gather [hbm4b:s2+s4], $0x2710, $0x38;
	[tilespmem:$0x1E900] =	vst v63  }
0x1c: {  	_ =	swait.ge [sflag:s14], $0x2710  }
0x1d: {  	[sflag:s14] =	ssyncset.done $0x0  }
0x1e: {  	[sflag:s14] =	ssyncadd.s32 $0xFFFFD8F0  }
0x1f: {  	[spmem:s16], [sflag:s15] =	dma.local [hbm:s5], $0x800  }
0x20: {  	_ =	swait.ge [sflag:s14], $0x800  }
0x21: {  	[sflag:s14] =	ssyncset.done $0x0  }
0x22: {  	[sflag:s14] =	ssyncadd.s32 $0xFFFFF800  }
0x23: {  	[spmem:s17], [sflag:s15] =	dma.local [hbm:s5], $0x800  }
0x24: {  	_ =	swait.ge [sflag:s14], $0x800  }
0x25: {  	[sflag:s14] =	ssyncset.done $0x0  }
0x26: {  	[sflag:s14] =	ssyncadd.s32 $0xFFFFF800  }
0x27: {  	[spmem:s18], [sflag:s15] =	dma.local [hbm:s5], $0x800  }
0x28: {  	_ =	swait.ge [sflag:s14], $0x800  }
0x29: {  	[sflag:s14] =	ssyncset.done $0x0  }
0x2a: {  	[sflag:s14] =	ssyncadd.s32 $0xFFFFF800  }
0x2b: {  	[spmem:s19], [sflag:s15] =	dma.local [hbm:s5], $0x800  }
0x2c: {  	_ =	swait.ge [sflag:s14], $0x800  }
0x2d: {  	[sflag:s14] =	ssyncset.done $0x0  }
0x2e: {  	[sflag:s14] =	ssyncadd.s32 $0xFFFFF800  }
0x2f: {  	[spmem:s20], [sflag:s15] =	dma.local [hbm:s5], $0x800  }
0x30: {  	_ =	swait.ge [sflag:s14], $0x800  }
0x31: {  	[sflag:s14] =	ssyncset.done $0x0  }
0x32: {  	[sflag:s14] =	ssyncadd.s32 $0xFFFFF800  }
0x33: {  	[bflag:$0x0] =	sbarrier.arrive $0xFFFF  }
0x34: {  	[tilespmem:s22], [sflag:$0x1] =	stream.indirect.gather [hbm4b:s1+s21], $0x80, s4, s21, $0xb8;
	[tilespmem:$0x1E900] =	vst v63  }
0x35: {  	_ = 	snop  }
0x36: {  	[tilespmem:s23], [sflag:$0x2] =	stream.indirect.gather [hbm4b:s1+s21], $0x80, s21, s21, $0xb8;
	[tilespmem:$0x1E900] =	vst v63  }
0x37: {  	s6 =	sadd.s32 $0x0, s13  }
0x38: {  	[tilespmem:s24], [sflag:$0x3] =	stream.linear.gather [hbm4b:s6+s4], $0x80, $0x38;
	[tilespmem:$0x1E900] =	vst v63  }
0x39: {  	_ =	swait.ge [sflag:s14], $0x80  }
0x3a: {  	[sflag:s14] =	ssyncset.done $0x0  }
0x3b: {  	[sflag:s14] =	ssyncadd.s32 $0xFFFFFF80  }
0x3c: {  	_ =	swait.ge [sflag:s25], $0x4000  }
0x3d: {  	[sflag:s25] =	ssyncset.done $0x0  }
0x3e: {  	[sflag:s25] =	ssyncadd.s32 $0xFFFFC000  }
0x3f: {  	[spmem:s3] =	stream.indirect.scatter.add.f32 [tilespmem:s22], [sflag:$0x3], $0x80, s24, s21, $0xb8;
	[tilespmem:$0x1E900] =	vst v63  }
0x40: {  	_ =	swait.ge [sflag:s14], $0x4000  }
0x41: {  	[sflag:s14] =	ssyncset.done $0x0  }
0x42: {  	s7 =	simm.s32 $0x100;
	[sflag:s14] =	ssyncadd.s32 $0xFFFFC000  }
0x43: {  	[tilespmem:s22], [sflag:$0x1] =	stream.indirect.gather [hbm4b:s1+s21], $0x80, s7, s21, $0xb8;
	[tilespmem:$0x1E900] =	vst v63  }
0x44: {  	s8 =	sadd.s32 $0x0, s12  }
0x45: {  	[tilespmem:s26], [sflag:$0x3] =	stream.linear.gather [hbm4b:s8+s4], $0x80, $0x38;
	[tilespmem:$0x1E900] =	vst v63  }
0x46: {  	_ =	swait.ge [sflag:s14], $0x80  }
0x47: {  	[sflag:s14] =	ssyncset.done $0x0  }
0x48: {  	[sflag:s14] =	ssyncadd.s32 $0xFFFFFF80  }
0x49: {  	_ =	swait.ge [sflag:s28], $0x4000  }
0x4a: {  	[sflag:s28] =	ssyncset.done $0x0  }
0x4b: {  	[sflag:s28] =	ssyncadd.s32 $0xFFFFC000  }
0x4c: {  	[spmem:s3] =	stream.indirect.scatter.add.f32 [tilespmem:s23], [sflag:$0x3], $0x80, s26, s21, $0xb8;
	[tilespmem:$0x1E900] =	vst v63  }
0x4d: {  	_ =	swait.ge [sflag:s14], $0x4000  }
0x4e: {  	s31 =	simm.s32 $0x20;
	[sflag:s14] =	ssyncset.done $0x0  }
0x4f: {  	s2 =	simm.s32 $0x180;
	s6 =	simm.s32 $0x280;
	[sflag:s14] =	ssyncadd.s32 $0xFFFFC000  }
.LBB2_2:
0x50: {  	[tilespmem:s23], [sflag:$0x2] =	stream.indirect.gather [hbm4b:s1+s21], $0x80, s2, s21, $0xb8;
	[tilespmem:$0x1E900] =	vst v63  }
0x51: {  	s7 =	smov.u32 s31;
	s2 =	smov.u32 s6  }
0x52: {  	p0 =	sne.s32 s31, $0x4A0;
	s31 =	sadd.s32 $0x20, s31;
	s8 =	sadd.s32 s7, s13  }
0x53: {  	[tilespmem:s24], [sflag:$0x3] =	stream.linear.gather [hbm4b:s8+s4], $0x80, $0x38;
	[tilespmem:$0x1E900] =	vst v63  }
0x54: {  	_ =	swait.ge [sflag:s14], $0x80  }
0x55: {  	[sflag:s14] =	ssyncset.done $0x0  }
0x56: {  	[sflag:s14] =	ssyncadd.s32 $0xFFFFFF80  }
0x57: {  	_ =	swait.ge [sflag:s25], $0x4000  }
0x58: {  	[sflag:s25] =	ssyncset.done $0x0  }
0x59: {  	[sflag:s25] =	ssyncadd.s32 $0xFFFFC000  }
0x5a: {  	[spmem:s3] =	stream.indirect.scatter.add.f32 [tilespmem:s22], [sflag:$0x3], $0x80, s24, s21, $0xb8;
	[tilespmem:$0x1E900] =	vst v63  }
0x5b: {  	_ =	swait.ge [sflag:s14], $0x4000  }
0x5c: {  	[sflag:s14] =	ssyncset.done $0x0  }
0x5d: {  	s8 =	sadd.s32 $0xFFFFFF80, s6;
	[sflag:s14] =	ssyncadd.s32 $0xFFFFC000  }
0x5e: {  	[tilespmem:s22], [sflag:$0x1] =	stream.indirect.gather [hbm4b:s1+s21], $0x80, s8, s21, $0xb8;
	[tilespmem:$0x1E900] =	vst v63  }
0x5f: {  	s7 =	sadd.s32 s7, s12  }
0x60: {  	[tilespmem:s26], [sflag:$0x3] =	stream.linear.gather [hbm4b:s7+s4], $0x80, $0x38;
	[tilespmem:$0x1E900] =	vst v63  }
0x61: {  	_ =	swait.ge [sflag:s14], $0x80  }
0x62: {  	[sflag:s14] =	ssyncset.done $0x0  }
0x63: {  	[sflag:s14] =	ssyncadd.s32 $0xFFFFFF80  }
0x64: {  	_ =	swait.ge [sflag:s28], $0x4000  }
0x65: {  	[sflag:s28] =	ssyncset.done $0x0  }
.Ltmp0:
0x66: {  	[sflag:s28] =	ssyncadd.s32 $0xFFFFC000;
	(pc) =	sbr.rel @p0 .LBB2_2-.Ltmp0, $4  }
0x67: {  	[spmem:s3] =	stream.indirect.scatter.add.f32 [tilespmem:s23], [sflag:$0x3], $0x80, s26, s21, $0xb8;
	[tilespmem:$0x1E900] =	vst v63  }
0x68: {  	_ =	swait.ge [sflag:s14], $0x4000  }
0x69: {  	[sflag:s14] =	ssyncset.done $0x0  }
0x6a: {  	s6 =	sadd.s32 $0x100, s6;
	[sflag:s14] =	ssyncadd.s32 $0xFFFFC000  }
0x6b: {  	[tilespmem:s23], [sflag:$0x2] =	stream.indirect.gather [hbm4b:s1+s21], $0x80, s2, s21, $0xb8;
	[tilespmem:$0x1E900] =	vst v63  }
0x6c: {  	s7 =	rddreg [dreg:$0x7]  }
0x6d: {  	[tilespmem:s24], [sflag:$0x3] =	stream.linear.gather [hbm4b:s7+s4], $0x80, $0x38;
	[tilespmem:$0x1E900] =	vst v63  }
0x6e: {  	_ =	swait.ge [sflag:s14], $0x80  }
0x6f: {  	[sflag:s14] =	ssyncset.done $0x0  }
0x70: {  	[sflag:s14] =	ssyncadd.s32 $0xFFFFFF80  }
0x71: {  	_ =	swait.ge [sflag:s25], $0x4000  }
0x72: {  	[sflag:s25] =	ssyncset.done $0x0  }
0x73: {  	[sflag:s25] =	ssyncadd.s32 $0xFFFFC000  }
0x74: {  	[spmem:s3] =	stream.indirect.scatter.add.f32 [tilespmem:s22], [sflag:$0x3], $0x80, s24, s21, $0xb8;
	[tilespmem:$0x1E900] =	vst v63  }
0x75: {  	_ =	swait.ge [sflag:s14], $0x4000  }
0x76: {  	[sflag:s14] =	ssyncset.done $0x0  }
0x77: {  	s8 =	rddreg [dreg:$0x8];
	[sflag:s14] =	ssyncadd.s32 $0xFFFFC000  }
0x78: {  	[tilespmem:s26], [sflag:$0x3] =	stream.linear.gather [hbm4b:s8+s4], $0x80, $0x38;
	[tilespmem:$0x1E900] =	vst v63  }
0x79: {  	_ =	swait.ge [sflag:s14], $0x80  }
0x7a: {  	[sflag:s14] =	ssyncset.done $0x0  }
0x7b: {  	[sflag:s14] =	ssyncadd.s32 $0xFFFFFF80  }
0x7c: {  	_ =	swait.ge [sflag:s28], $0x4000  }
0x7d: {  	[sflag:s28] =	ssyncset.done $0x0  }
0x7e: {  	[sflag:s28] =	ssyncadd.s32 $0xFFFFC000  }
0x7f: {  	[spmem:s3] =	stream.indirect.scatter.add.f32 [tilespmem:s23], [sflag:$0x3], $0x80, s26, s21, $0xb8;
	[tilespmem:$0x1E900] =	vst v63  }
0x80: {  	_ =	swait.ge [sflag:s14], $0x4000  }
0x81: {  	[sflag:s14] =	ssyncset.done $0x0  }
0x82: {  	[sflag:s14] =	ssyncadd.s32 $0xFFFFC000  }
0x83: {  	[tilespmem:s29], [sflag:$0x3] =	stream.linear.gather [hbm4b:s9+s4], $0x10, $0x38;
	[tilespmem:$0x1E900] =	vst v63  }
0x84: {  	_ =	swait.ge [sflag:s14], $0x10  }
0x85: {  	[sflag:s14] =	ssyncset.done $0x0  }
0x86: {  	s31 =	simm.s32 $0x2700;
	[sflag:s14] =	ssyncadd.s32 $0xFFFFFFF0  }
0x87: {  	[tilespmem:s22], [sflag:$0x1] =	stream.indirect.gather [hbm4b:s1+s30], $0x80, s31, s30, $0xb8;
	[tilespmem:$0x1E900] =	vst v63  }
0x88: {  	_ =	swait.ge [sflag:s25], $0x800  }
0x89: {  	[sflag:s25] =	ssyncset.done $0x0  }
0x8a: {  	[sflag:s25] =	ssyncadd.s32 $0xFFFFF800  }
0x8b: {  	[spmem:s3] =	stream.indirect.scatter.add.f32 [tilespmem:s22], [sflag:$0x3], $0x80, s29, s30, $0xb8;
	[tilespmem:$0x1E900] =	vst v63  }
0x8c: {  	_ =	swait.ge [sflag:s14], $0x800  }
0x8d: {  	s0 =	sadd.s32 $0x1, s0;
	[sflag:s14] =	ssyncset.done $0x0  }
0x8e: {  	p0 =	sne.s32 s0, s11;
	[sflag:s14] =	ssyncadd.s32 $0xFFFFF800  }
.Ltmp1:
0x8f: {  	[bflag:$0x0] =	sbarrier.arrive $0xFFFF;
	(pc) =	sbr.rel @p0 .LBB2_1-.Ltmp1, $4  }
0x90: {  	[hbm:s10], [sflag:s15] =	dma.local [spmem:s16], $0x2800  }
0x91: {  	_ =	swait.ge [sflag:s14], $0x2800  }
0x92: {  	[sflag:s14] =	ssyncset.done $0x0  }
0x93: {  	[sflag:s14] =	ssyncadd.s32 $0xFFFFD800  }
0x94: {  	_ =	sfence.sel $0x180000  }
0x95: {  	[bflag:$0x0] =	sbarrier.arrive $0xFFFF  }
0x96: {  	_ =	strace $0x9000004A  }
0x97: {  	s0 =	stileid.u32;
	[bflag:$0x2] =	sbarrier.arrive $0xFFFF  }
0x98: {  	p0 =	sne.s32 s0, $0x0;
	s0 =	rddreg [dreg:$0x5]  }
0x99: {  	s0 =	sadd.s32 @!p0 $0x100000, s0  }
0x9a: {  	[sflag:s0] =	ssyncadd.tile.s32 @!p0 $0x1;
	_ =	shalt  }
.Lfunc_end2:
_tile_overlayer_lowered:
.L_overlay_start_2:
0x9b: {  	(tag) =	ssettag $0x2  }
0x9c: {  	s0 =	rddreg [dreg:$0x0];
	s2 =	stileid.u32  }
0x9d: {  	s1 =	rddreg [dreg:$0x1];
	p0 =	sne.s32 s2, $0x0  }
0x9e: {  	s3 =	rddreg [dreg:$0x2];
	[bflag:$0x3] =	sbarrier.arrive $0xFFFF;
	s2 =	simm.s32 @!p0 $0x1C03  }
0x9f: {  	[timem:s3], [sflag:s2] =	dma.local @!p0 [hbm:s0], s1  }
0xa0: {  	s0 =	simm.s32 @!p0 $0x3  }
0xa1: {  	_ =	swait.ge @!p0 [sflag:s0], s1  }
0xa2: {  	s1 =	ssub.s32 @!p0 $0x0, s1;
	[sflag:s0] =	ssyncset.done @!p0 $0x0  }
0xa3: {  	[sflag:s0] =	ssyncadd.s32 @!p0 s1  }
0xa4: {  	[bflag:$0x3] =	sbarrier.arrive $0xFFFF  }
0xa5: {  	_ =	shalt  }

</sc_bundles>
